<compile_context>
chip_gen: v7x
topology: tpu7x:2x2x1
jax: 0.10.2.dev20260603
libtpu: 0.0.44.dev20260713+nightly
codegen_flags: <defaults>
</compile_context>

<pallas_src>
import functools

import jax
import jax.numpy as jnp
from jax import lax
from jax.experimental import pallas as pl
from jax.experimental.pallas import tpu as pltpu
from jax.experimental.pallas import tpu_sc as plsc

BB, SS, VV, NCLS = 32, 20, 100000, 512
KTOP = 50

NCORE, NSUB, L = 2, 16, 16

TV = 5120
VPAD = 102400
PVECS = VPAD // L
CHUNK_VECS = 25
CHUNK = CHUNK_VECS * L
NCHUNK = PVECS // CHUNK_VECS
SELPAD = 64

NEG_INF = float("-inf")
BIGI = 2**30


def _pmax_body(x_ref, o_ref):
    r = pl.program_id(0) % 8
    x = x_ref[0]
    mn = jnp.min(x, axis=1, keepdims=True)
    mx = jnp.max(x, axis=1, keepdims=True)
    o_ref[0, r, pl.ds(0, VV)] = jnp.max((x - mn) / (mx - mn), axis=0)
    o_ref[0, r, pl.ds(VV, VPAD - VV)] = jnp.full((VPAD - VV,), NEG_INF,
                                                 jnp.float32)


def _compute_pmax(predicts_t):
    out3 = pl.pallas_call(
        _pmax_body,
        grid=(BB,),
        in_specs=[pl.BlockSpec((1, SS, VV), lambda i: (i, 0, 0))],
        out_specs=pl.BlockSpec((1, 8, VPAD), lambda i: (i // 8, 0, 0)),
        out_shape=jax.ShapeDtypeStruct((4, 8, VPAD), jnp.float32),
    )(predicts_t)
    return jnp.reshape(out3, (BB, VPAD))


def _store1(ref, pos, val):
    lane = lax.iota(jnp.int32, L)
    plsc.store_scatter(
        ref,
        [jnp.full((L,), pos, jnp.int32)],
        jnp.full((L,), val, ref.dtype),
        mask=lane == 0,
    )


def _topk_body(pmax_hbm, mh_hbm, row_v, cmax_v, sel_v):
    wid = lax.axis_index("s") * NCORE + lax.axis_index("c")
    lane = lax.iota(jnp.int32, L)

    pltpu.sync_copy(pmax_hbm.at[wid], row_v)

    def _chunk_max(ch):
        base = ch * CHUNK

        def _im(t, m):
            return jnp.maximum(m, row_v[pl.ds(base + t * L, L)])
        m = lax.fori_loop(0, CHUNK_VECS, _im,
                          jnp.full((L,), NEG_INF, jnp.float32), unroll=7)
        return jnp.max(m)

    def _bc(ch, _):
        _store1(cmax_v, ch, _chunk_max(ch))
        return 0
    lax.fori_loop(0, NCHUNK, _bc, 0)

    def _select(j, _):
        def _gm(i, m):
            return jnp.maximum(m, cmax_v[pl.ds(i * L, L)])
        m = lax.fori_loop(0, NCHUNK // L, _gm,
                          jnp.full((L,), NEG_INF, jnp.float32), unroll=7)
        big = jnp.max(m)

        def _fc(i, best):
            v = cmax_v[pl.ds(i * L, L)]
            cand = jnp.where(v == big, i * L + lane, BIGI)
            return jnp.minimum(best, cand)
        chv = lax.fori_loop(0, NCHUNK // L, _fc,
                            jnp.full((L,), BIGI, jnp.int32), unroll=7)
        ch = jnp.min(chv)
        base = ch * CHUNK

        def _fp(t, best):
            v = row_v[pl.ds(base + t * L, L)]
            cand = jnp.where(v == big, base + t * L + lane, BIGI)
            return jnp.minimum(best, cand)
        posv = lax.fori_loop(0, CHUNK_VECS, _fp,
                             jnp.full((L,), BIGI, jnp.int32), unroll=7)
        pos = jnp.min(posv)

        _store1(sel_v, j, pos)
        _store1(row_v, pos, NEG_INF)
        _store1(cmax_v, ch, _chunk_max(ch))
        return 0
    lax.fori_loop(0, KTOP, _select, 0)

    def _zero(t, _):
        row_v[pl.ds(t * L, L)] = jnp.zeros((L,), jnp.float32)
        return 0
    lax.fori_loop(0, PVECS, _zero, 0, unroll=8)

    for g in range(SELPAD // L):
        idx = sel_v[pl.ds(g * L, L)]
        valid = (g * L + lane) < KTOP
        safe = jnp.where(valid, idx, VV + g * L + lane)
        plsc.store_scatter(
            row_v, [safe],
            jnp.where(valid, jnp.float32(1.0), jnp.float32(0.0)))

    pltpu.sync_copy(row_v, mh_hbm.at[wid])


@functools.cache
def _topk():
    return pl.kernel(
        _topk_body,
        out_type=jax.ShapeDtypeStruct((BB, VPAD), jnp.float32),
        mesh=plsc.VectorSubcoreMesh(core_axis_name="c", subcore_axis_name="s"),
        compiler_params=pltpu.CompilerParams(needs_layout_passes=False),
        scratch_types=[
            pltpu.VMEM((VPAD,), jnp.float32),
            pltpu.VMEM((NCHUNK,), jnp.float32),
            pltpu.VMEM((SELPAD,), jnp.int32),
        ],
    )


def _matmul_body(mh_ref, w_ref, b_ref, o_ref, acc_ref):
    i = pl.program_id(0)

    @pl.when(i == 0)
    def _init():
        acc_ref[...] = jnp.broadcast_to(b_ref[...][None, :], (BB, NCLS))

    last = pl.num_programs(0) - 1

    @pl.when(i < last)
    def _full_tile():
        acc_ref[...] += jax.lax.dot_general(
            mh_ref[...], w_ref[...], (((1,), (1,)), ((), ())),
            preferred_element_type=jnp.float32)

    @pl.when(i == last)
    def _tail_tile():
        col = lax.broadcasted_iota(jnp.int32, (NCLS, TV), 1)
        w = jnp.where(col < VV - i * TV, w_ref[...], 0.0)
        acc_ref[...] += jax.lax.dot_general(
            mh_ref[...], w, (((1,), (1,)), ((), ())),
            preferred_element_type=jnp.float32)

    @pl.when(i == pl.num_programs(0) - 1)
    def _done():
        o_ref[...] = acc_ref[...]


def _classify(mh, W, b):
    return pl.pallas_call(
        _matmul_body,
        grid=(VPAD // TV,),
        in_specs=[
            pl.BlockSpec((BB, TV), lambda i: (0, i)),
            pl.BlockSpec((NCLS, TV), lambda i: (0, i)),
            pl.BlockSpec((NCLS,), lambda i: (0,)),
        ],
        out_specs=pl.BlockSpec((BB, NCLS), lambda i: (0, 0)),
        out_shape=jax.ShapeDtypeStruct((BB, NCLS), jnp.float32),
        scratch_shapes=[pltpu.VMEM((BB, NCLS), jnp.float32)],
    )(mh, W, b)


def kernel(predicts_t, k, W, b):
    pmax = _compute_pmax(predicts_t)
    mh = _topk()(pmax)
    return _classify(mh, W, b)

# --- scband reference (transcript-rebuilt; emitter-appended) ---
"""Pipeline reference for scband-v2-s2-c-89902255440908 (READ-ONLY COPY).

The authoritative reference and input builder live on the scoring server;
editing this copy changes nothing except your own understanding.
"""

import jax, jax.numpy as jnp
import numpy as np

B, S, V, NUM_CLS, K = 32, 20, 100000, 512, 50

def setup_inputs(seed: int = 0) -> dict:
    key = jax.random.key(seed)
    k1, k2 = jax.random.split(key, 2)
    predicts_t = jax.random.normal(k1, (B, S, V), dtype=jnp.float32)
    W = jax.random.normal(k2, (NUM_CLS, V), dtype=jnp.float32) * 0.01
    b = jnp.zeros((NUM_CLS,), dtype=jnp.float32)
    return {"predicts_t": predicts_t, "k": K, "W": W, "b": b}

def reference(predicts_t, k, W, b):
    # minmax_oprtator over vocab dim (dim=2)
    mn = jnp.min(predicts_t, axis=2, keepdims=True)
    mx = jnp.max(predicts_t, axis=2, keepdims=True)
    norm = (predicts_t - mn) / (mx - mn)
    # max over sequence dim (dim=1) -> [B, V]
    pmax = jnp.max(norm, axis=1)
    # torch.sort(dim=1, descending=True)[1][:, :k]
    order = jnp.argsort(-pmax, axis=1)
    rank = jnp.argsort(order, axis=1)
    # compute_multi_hot: scatter 1.0 at top-k word ids -> [B, V]
    multi_hot = (rank < k).astype(predicts_t.dtype)
    # classifier_multi_hot: Linear(num_words -> num_cls)
    out = multi_hot @ W.T + b
    return out

if __name__ == "__main__":
    import jax
    _d = setup_inputs()
    print(jax.jit(kernel)(*tuple(_d.values())))

</pallas_src>

<mosaic_0001>
#map = affine_map<(d0, d1) -> (0, 0)>
module attributes {stable_mosaic.version = 14 : i64} {
  func.func @_topk_body(%arg0: i32, %arg1: i32, %arg2: memref<32x102400xf32, #tpu.memory_space<hbm>>, %arg3: memref<32x102400xf32, #tpu.memory_space<hbm>>, %arg4: memref<102400xf32, #tpu.memory_space<vmem>>, %arg5: memref<256xf32, #tpu.memory_space<vmem>>, %arg6: memref<64xi32, #tpu.memory_space<vmem>>) attributes {dimension_semantics = [#tpu.dimension_semantics<core_parallel>, #tpu.dimension_semantics<subcore_parallel>], iteration_bounds = array<i64: 2, 16>, scalar_prefetch = 0 : i64, scratch_operands = 3 : i64, tpu.core_type = #tpu.core_type<sc_vector_subcore>, window_params = [{transform_indices = #map}, {transform_indices = #map}]} {
    %mul3A = arith.constant 2 : i32
    %mul3A_0 = arith.muli %arg1, %mul3A : i32
    %add3A = arith.addi %mul3A_0, %arg0 : i32
    %iota3A = tpu.iota {dimensions = array<i32: 0>} : vector<16xi32>
    "tpu.region"() ({
      %run_scoped3A = tpu.sem_alloc : memref<!tpu.dma_semaphore, #tpu.memory_space<semaphore_mem>>
      %dma_start3A = arith.constant 0 : i32
      %dma_start3A_84 = tpu.memref_slice %arg2[%add3A, %dma_start3A] : memref<32x102400xf32, #tpu.memory_space<hbm>> -> memref<1x102400xf32, #tpu.memory_space<hbm>>
      %dma_start3A_85 = tpu.memref_squeeze %dma_start3A_84 : memref<1x102400xf32, #tpu.memory_space<hbm>> -> memref<102400xf32, #tpu.memory_space<hbm>>
      %dma_start3A_86 = arith.constant 0 : i32
      %dma_start3A_87 = tpu.memref_slice %arg2[%add3A, %dma_start3A_86] : memref<32x102400xf32, #tpu.memory_space<hbm>> -> memref<1x102400xf32, #tpu.memory_space<hbm>>
      %dma_start3A_88 = tpu.memref_squeeze %dma_start3A_87 : memref<1x102400xf32, #tpu.memory_space<hbm>> -> memref<102400xf32, #tpu.memory_space<hbm>>
      tpu.enqueue_dma source(%dma_start3A_88 : memref<102400xf32, #tpu.memory_space<hbm>>) target(%arg4 : memref<102400xf32, #tpu.memory_space<vmem>>) target_semaphore(%run_scoped3A : memref<!tpu.dma_semaphore, #tpu.memory_space<semaphore_mem>>)
      %dma_wait3A = arith.constant 0 : i32
      %dma_wait3A_89 = tpu.memref_slice %arg2[%add3A, %dma_wait3A] : memref<32x102400xf32, #tpu.memory_space<hbm>> -> memref<1x102400xf32, #tpu.memory_space<hbm>>
      %dma_wait3A_90 = tpu.memref_squeeze %dma_wait3A_89 : memref<1x102400xf32, #tpu.memory_space<hbm>> -> memref<102400xf32, #tpu.memory_space<hbm>>
      %dma_wait3A_91 = arith.constant 0 : i32
      %dma_wait3A_92 = tpu.memref_slice %arg2[%add3A, %dma_wait3A_91] : memref<32x102400xf32, #tpu.memory_space<hbm>> -> memref<1x102400xf32, #tpu.memory_space<hbm>>
      %dma_wait3A_93 = tpu.memref_squeeze %dma_wait3A_92 : memref<1x102400xf32, #tpu.memory_space<hbm>> -> memref<102400xf32, #tpu.memory_space<hbm>>
      tpu.wait_dma2 semaphore(%run_scoped3A : memref<!tpu.dma_semaphore, #tpu.memory_space<semaphore_mem>>) src(%dma_wait3A_93 : memref<102400xf32, #tpu.memory_space<hbm>>) dst(%arg4 : memref<102400xf32, #tpu.memory_space<vmem>>)
      tpu.yield
    }) : () -> ()
    %scan3A = arith.constant 0 : i32
    %scan3A_1 = arith.constant 0 : i32
    %scan3A_2 = arith.constant 256 : i32
    %scan3A_3 = arith.addi %scan3A_1, %scan3A_2 : i32
    %scan3A_4 = arith.constant 1 : i32
    %scan3A_5 = scf.for %scan3A_84 = %scan3A_1 to %scan3A_3 step %scan3A_4 iter_args(%scan3A_85 = %scan3A) -> (i32)  : i32 {
      %mul3A_86 = arith.constant 400 : i32
      %mul3A_87 = arith.muli %scan3A_84, %mul3A_86 : i32
      %broadcast_in_dim3A_88 = arith.constant 0xFF800000 : f32
      %broadcast_in_dim3A_89 = vector.broadcast %broadcast_in_dim3A_88 : f32 to vector<16xf32>
      %scan3A_90 = arith.constant 0 : i32
      %scan3A_91 = arith.constant 21 : i32
      %scan3A_92 = arith.addi %scan3A_90, %scan3A_91 : i32
      %scan3A_93 = arith.constant 7 : i32
      %scan3A_94 = scf.for %scan3A_136 = %scan3A_90 to %scan3A_92 step %scan3A_93 iter_args(%scan3A_137 = %broadcast_in_dim3A_89) -> (vector<16xf32>)  : i32 {
        %mul3A_138 = arith.constant 16 : i32
        %mul3A_139 = arith.muli %scan3A_136, %mul3A_138 : i32
        %add3A_140 = arith.addi %mul3A_87, %mul3A_139 : i32
        %get3A_141 = arith.index_cast %add3A_140 : i32 to index
        %get3A_142 = tpu.vector_load %arg4[%get3A_141] {strides = array<i32>} : memref<102400xf32, #tpu.memory_space<vmem>>, vector<16xf32>,
        %max3A_143 = arith.maximumf %scan3A_137, %get3A_142 : vector<16xf32>
        %scan3A_144 = arith.constant 1 : i32
        %scan3A_145 = arith.addi %scan3A_136, %scan3A_144 : i32
        %mul3A_146 = arith.constant 16 : i32
        %mul3A_147 = arith.muli %scan3A_145, %mul3A_146 : i32
        %add3A_148 = arith.addi %mul3A_87, %mul3A_147 : i32
        %get3A_149 = arith.index_cast %add3A_148 : i32 to index
        %get3A_150 = tpu.vector_load %arg4[%get3A_149] {strides = array<i32>} : memref<102400xf32, #tpu.memory_space<vmem>>, vector<16xf32>,
        %max3A_151 = arith.maximumf %max3A_143, %get3A_150 : vector<16xf32>
        %scan3A_152 = arith.constant 2 : i32
        %scan3A_153 = arith.addi %scan3A_136, %scan3A_152 : i32
        %mul3A_154 = arith.constant 16 : i32
        %mul3A_155 = arith.muli %scan3A_153, %mul3A_154 : i32
        %add3A_156 = arith.addi %mul3A_87, %mul3A_155 : i32
        %get3A_157 = arith.index_cast %add3A_156 : i32 to index
        %get3A_158 = tpu.vector_load %arg4[%get3A_157] {strides = array<i32>} : memref<102400xf32, #tpu.memory_space<vmem>>, vector<16xf32>,
        %max3A_159 = arith.maximumf %max3A_151, %get3A_158 : vector<16xf32>
        %scan3A_160 = arith.constant 3 : i32
        %scan3A_161 = arith.addi %scan3A_136, %scan3A_160 : i32
        %mul3A_162 = arith.constant 16 : i32
        %mul3A_163 = arith.muli %scan3A_161, %mul3A_162 : i32
        %add3A_164 = arith.addi %mul3A_87, %mul3A_163 : i32
        %get3A_165 = arith.index_cast %add3A_164 : i32 to index
        %get3A_166 = tpu.vector_load %arg4[%get3A_165] {strides = array<i32>} : memref<102400xf32, #tpu.memory_space<vmem>>, vector<16xf32>,
        %max3A_167 = arith.maximumf %max3A_159, %get3A_166 : vector<16xf32>
        %scan3A_168 = arith.constant 4 : i32
        %scan3A_169 = arith.addi %scan3A_136, %scan3A_168 : i32
        %mul3A_170 = arith.constant 16 : i32
        %mul3A_171 = arith.muli %scan3A_169, %mul3A_170 : i32
        %add3A_172 = arith.addi %mul3A_87, %mul3A_171 : i32
        %get3A_173 = arith.index_cast %add3A_172 : i32 to index
        %get3A_174 = tpu.vector_load %arg4[%get3A_173] {strides = array<i32>} : memref<102400xf32, #tpu.memory_space<vmem>>, vector<16xf32>,
        %max3A_175 = arith.maximumf %max3A_167, %get3A_174 : vector<16xf32>
        %scan3A_176 = arith.constant 5 : i32
        %scan3A_177 = arith.addi %scan3A_136, %scan3A_176 : i32
        %mul3A_178 = arith.constant 16 : i32
        %mul3A_179 = arith.muli %scan3A_177, %mul3A_178 : i32
        %add3A_180 = arith.addi %mul3A_87, %mul3A_179 : i32
        %get3A_181 = arith.index_cast %add3A_180 : i32 to index
        %get3A_182 = tpu.vector_load %arg4[%get3A_181] {strides = array<i32>} : memref<102400xf32, #tpu.memory_space<vmem>>, vector<16xf32>,
        %max3A_183 = arith.maximumf %max3A_175, %get3A_182 : vector<16xf32>
        %scan3A_184 = arith.constant 6 : i32
        %scan3A_185 = arith.addi %scan3A_136, %scan3A_184 : i32
        %mul3A_186 = arith.constant 16 : i32
        %mul3A_187 = arith.muli %scan3A_185, %mul3A_186 : i32
        %add3A_188 = arith.addi %mul3A_87, %mul3A_187 : i32
        %get3A_189 = arith.index_cast %add3A_188 : i32 to index
        %get3A_190 = tpu.vector_load %arg4[%get3A_189] {strides = array<i32>} : memref<102400xf32, #tpu.memory_space<vmem>>, vector<16xf32>,
        %max3A_191 = arith.maximumf %max3A_183, %get3A_190 : vector<16xf32>
        scf.yield %max3A_191 : vector<16xf32>
      }
      %scan3A_95 = arith.constant 21 : i32
      %scan3A_96 = arith.addi %scan3A_90, %scan3A_95 : i32
      %mul3A_97 = arith.constant 16 : i32
      %mul3A_98 = arith.muli %scan3A_96, %mul3A_97 : i32
      %add3A_99 = arith.addi %mul3A_87, %mul3A_98 : i32
      %get3A_100 = arith.index_cast %add3A_99 : i32 to index
      %get3A_101 = tpu.vector_load %arg4[%get3A_100] {strides = array<i32>} : memref<102400xf32, #tpu.memory_space<vmem>>, vector<16xf32>,
      %max3A = arith.maximumf %scan3A_94, %get3A_101 : vector<16xf32>
      %scan3A_102 = arith.constant 22 : i32
      %scan3A_103 = arith.addi %scan3A_90, %scan3A_102 : i32
      %mul3A_104 = arith.constant 16 : i32
      %mul3A_105 = arith.muli %scan3A_103, %mul3A_104 : i32
      %add3A_106 = arith.addi %mul3A_87, %mul3A_105 : i32
      %get3A_107 = arith.index_cast %add3A_106 : i32 to index
      %get3A_108 = tpu.vector_load %arg4[%get3A_107] {strides = array<i32>} : memref<102400xf32, #tpu.memory_space<vmem>>, vector<16xf32>,
      %max3A_109 = arith.maximumf %max3A, %get3A_108 : vector<16xf32>
      %scan3A_110 = arith.constant 23 : i32
      %scan3A_111 = arith.addi %scan3A_90, %scan3A_110 : i32
      %mul3A_112 = arith.constant 16 : i32
      %mul3A_113 = arith.muli %scan3A_111, %mul3A_112 : i32
      %add3A_114 = arith.addi %mul3A_87, %mul3A_113 : i32
      %get3A_115 = arith.index_cast %add3A_114 : i32 to index
      %get3A_116 = tpu.vector_load %arg4[%get3A_115] {strides = array<i32>} : memref<102400xf32, #tpu.memory_space<vmem>>, vector<16xf32>,
      %max3A_117 = arith.maximumf %max3A_109, %get3A_116 : vector<16xf32>
      %scan3A_118 = arith.constant 24 : i32
      %scan3A_119 = arith.addi %scan3A_90, %scan3A_118 : i32
      %mul3A_120 = arith.constant 16 : i32
      %mul3A_121 = arith.muli %scan3A_119, %mul3A_120 : i32
      %add3A_122 = arith.addi %mul3A_87, %mul3A_121 : i32
      %get3A_123 = arith.index_cast %add3A_122 : i32 to index
      %get3A_124 = tpu.vector_load %arg4[%get3A_123] {strides = array<i32>} : memref<102400xf32, #tpu.memory_space<vmem>>, vector<16xf32>,
      %max3A_125 = arith.maximumf %max3A_117, %get3A_124 : vector<16xf32>
      %scan3A_126 = arith.constant 25 : i32
      %reduce_max3A = arith.constant true
      %reduce_max3A_127 = vector.broadcast %reduce_max3A : i1 to vector<16xi1>
      %reduce_max3A_128 = tpu.scan <max>, %max3A_125 masked %reduce_max3A_127 : vector<16xf32>, vector<16xi1> -> vector<16xf32>
      %reduce_max3A_129 = vector.extract %reduce_max3A_128[15] : f32 from vector<16xf32>
      %iota3A_130 = tpu.iota {dimensions = array<i32: 0>} : vector<16xi32>
      %broadcast_in_dim3A_131 = vector.broadcast %scan3A_84 : i32 to vector<16xi32>
      %broadcast_in_dim3A_132 = vector.broadcast %reduce_max3A_129 : f32 to vector<16xf32>
      %eq3A = arith.constant 0 : i32
      %eq3A_133 = vector.broadcast %eq3A : i32 to vector<16xi32>
      %eq3A_134 = arith.cmpi eq, %iota3A_130, %eq3A_133 : vector<16xi32>
      tpu.vector_store_idx %arg5[%broadcast_in_dim3A_131], %broadcast_in_dim3A_132 masked %eq3A_134 : memref<256xf32, #tpu.memory_space<vmem>>[vector<16xi32>], vector<16xf32>, vector<16xi1>
      %scan3A_135 = arith.constant 0 : i32
      scf.yield %scan3A_135 : i32
    }
    %scan3A_6 = arith.constant 256 : i32
    %scan3A_7 = arith.constant 0 : i32
    %scan3A_8 = arith.constant 0 : i32
    %scan3A_9 = arith.constant 50 : i32
    %scan3A_10 = arith.addi %scan3A_8, %scan3A_9 : i32
    %scan3A_11 = arith.constant 1 : i32
    %scan3A_12 = scf.for %scan3A_84 = %scan3A_8 to %scan3A_10 step %scan3A_11 iter_args(%scan3A_85 = %scan3A_7) -> (i32)  : i32 {
      %broadcast_in_dim3A_86 = arith.constant 0xFF800000 : f32
      %broadcast_in_dim3A_87 = vector.broadcast %broadcast_in_dim3A_86 : f32 to vector<16xf32>
      %scan3A_88 = arith.constant 0 : i32
      %scan3A_89 = arith.constant 14 : i32
      %scan3A_90 = arith.addi %scan3A_88, %scan3A_89 : i32
      %scan3A_91 = arith.constant 7 : i32
      %scan3A_92 = scf.for %scan3A_311 = %scan3A_88 to %scan3A_90 step %scan3A_91 iter_args(%scan3A_312 = %broadcast_in_dim3A_87) -> (vector<16xf32>)  : i32 {
        %mul3A_313 = arith.constant 16 : i32
        %mul3A_314 = arith.muli %scan3A_311, %mul3A_313 : i32
        %get3A_315 = arith.index_cast %mul3A_314 : i32 to index
        %get3A_316 = tpu.vector_load %arg5[%get3A_315] {strides = array<i32>} : memref<256xf32, #tpu.memory_space<vmem>>, vector<16xf32>,
        %max3A_317 = arith.maximumf %scan3A_312, %get3A_316 : vector<16xf32>
        %scan3A_318 = arith.constant 1 : i32
        %scan3A_319 = arith.addi %scan3A_311, %scan3A_318 : i32
        %mul3A_320 = arith.constant 16 : i32
        %mul3A_321 = arith.muli %scan3A_319, %mul3A_320 : i32
        %get3A_322 = arith.index_cast %mul3A_321 : i32 to index
        %get3A_323 = tpu.vector_load %arg5[%get3A_322] {strides = array<i32>} : memref<256xf32, #tpu.memory_space<vmem>>, vector<16xf32>,
        %max3A_324 = arith.maximumf %max3A_317, %get3A_323 : vector<16xf32>
        %scan3A_325 = arith.constant 2 : i32
        %scan3A_326 = arith.addi %scan3A_311, %scan3A_325 : i32
        %mul3A_327 = arith.constant 16 : i32
        %mul3A_328 = arith.muli %scan3A_326, %mul3A_327 : i32
        %get3A_329 = arith.index_cast %mul3A_328 : i32 to index
        %get3A_330 = tpu.vector_load %arg5[%get3A_329] {strides = array<i32>} : memref<256xf32, #tpu.memory_space<vmem>>, vector<16xf32>,
        %max3A_331 = arith.maximumf %max3A_324, %get3A_330 : vector<16xf32>
        %scan3A_332 = arith.constant 3 : i32
        %scan3A_333 = arith.addi %scan3A_311, %scan3A_332 : i32
        %mul3A_334 = arith.constant 16 : i32
        %mul3A_335 = arith.muli %scan3A_333, %mul3A_334 : i32
        %get3A_336 = arith.index_cast %mul3A_335 : i32 to index
        %get3A_337 = tpu.vector_load %arg5[%get3A_336] {strides = array<i32>} : memref<256xf32, #tpu.memory_space<vmem>>, vector<16xf32>,
        %max3A_338 = arith.maximumf %max3A_331, %get3A_337 : vector<16xf32>
        %scan3A_339 = arith.constant 4 : i32
        %scan3A_340 = arith.addi %scan3A_311, %scan3A_339 : i32
        %mul3A_341 = arith.constant 16 : i32
        %mul3A_342 = arith.muli %scan3A_340, %mul3A_341 : i32
        %get3A_343 = arith.index_cast %mul3A_342 : i32 to index
        %get3A_344 = tpu.vector_load %arg5[%get3A_343] {strides = array<i32>} : memref<256xf32, #tpu.memory_space<vmem>>, vector<16xf32>,
        %max3A_345 = arith.maximumf %max3A_338, %get3A_344 : vector<16xf32>
        %scan3A_346 = arith.constant 5 : i32
        %scan3A_347 = arith.addi %scan3A_311, %scan3A_346 : i32
        %mul3A_348 = arith.constant 16 : i32
        %mul3A_349 = arith.muli %scan3A_347, %mul3A_348 : i32
        %get3A_350 = arith.index_cast %mul3A_349 : i32 to index
        %get3A_351 = tpu.vector_load %arg5[%get3A_350] {strides = array<i32>} : memref<256xf32, #tpu.memory_space<vmem>>, vector<16xf32>,
        %max3A_352 = arith.maximumf %max3A_345, %get3A_351 : vector<16xf32>
        %scan3A_353 = arith.constant 6 : i32
        %scan3A_354 = arith.addi %scan3A_311, %scan3A_353 : i32
        %mul3A_355 = arith.constant 16 : i32
        %mul3A_356 = arith.muli %scan3A_354, %mul3A_355 : i32
        %get3A_357 = arith.index_cast %mul3A_356 : i32 to index
        %get3A_358 = tpu.vector_load %arg5[%get3A_357] {strides = array<i32>} : memref<256xf32, #tpu.memory_space<vmem>>, vector<16xf32>,
        %max3A_359 = arith.maximumf %max3A_352, %get3A_358 : vector<16xf32>
        scf.yield %max3A_359 : vector<16xf32>
      }
      %scan3A_93 = arith.constant 14 : i32
      %scan3A_94 = arith.addi %scan3A_88, %scan3A_93 : i32
      %mul3A_95 = arith.constant 16 : i32
      %mul3A_96 = arith.muli %scan3A_94, %mul3A_95 : i32
      %get3A_97 = arith.index_cast %mul3A_96 : i32 to index
      %get3A_98 = tpu.vector_load %arg5[%get3A_97] {strides = array<i32>} : memref<256xf32, #tpu.memory_space<vmem>>, vector<16xf32>,
      %max3A = arith.maximumf %scan3A_92, %get3A_98 : vector<16xf32>
      %scan3A_99 = arith.constant 15 : i32
      %scan3A_100 = arith.addi %scan3A_88, %scan3A_99 : i32
      %mul3A_101 = arith.constant 16 : i32
      %mul3A_102 = arith.muli %scan3A_100, %mul3A_101 : i32
      %get3A_103 = arith.index_cast %mul3A_102 : i32 to index
      %get3A_104 = tpu.vector_load %arg5[%get3A_103] {strides = array<i32>} : memref<256xf32, #tpu.memory_space<vmem>>, vector<16xf32>,
      %max3A_105 = arith.maximumf %max3A, %get3A_104 : vector<16xf32>
      %scan3A_106 = arith.constant 16 : i32
      %reduce_max3A = arith.constant true
      %reduce_max3A_107 = vector.broadcast %reduce_max3A : i1 to vector<16xi1>
      %reduce_max3A_108 = tpu.scan <max>, %max3A_105 masked %reduce_max3A_107 : vector<16xf32>, vector<16xi1> -> vector<16xf32>
      %reduce_max3A_109 = vector.extract %reduce_max3A_108[15] : f32 from vector<16xf32>
      %broadcast_in_dim3A_110 = arith.constant 1073741824 : i32
      %broadcast_in_dim3A_111 = vector.broadcast %broadcast_in_dim3A_110 : i32 to vector<16xi32>
      %scan3A_112 = arith.constant 0 : i32
      %scan3A_113 = arith.constant 14 : i32
      %scan3A_114 = arith.addi %scan3A_112, %scan3A_113 : i32
      %scan3A_115 = arith.constant 7 : i32
      %scan3A_116 = scf.for %scan3A_311 = %scan3A_112 to %scan3A_114 step %scan3A_115 iter_args(%scan3A_312 = %broadcast_in_dim3A_111) -> (vector<16xi32>)  : i32 {
        %mul3A_313 = arith.constant 16 : i32
        %mul3A_314 = arith.muli %scan3A_311, %mul3A_313 : i32
        %get3A_315 = arith.index_cast %mul3A_314 : i32 to index
        %get3A_316 = tpu.vector_load %arg5[%get3A_315] {strides = array<i32>} : memref<256xf32, #tpu.memory_space<vmem>>, vector<16xf32>,
        %eq3A_317 = vector.broadcast %reduce_max3A_109 : f32 to vector<16xf32>
        %eq3A_318 = arith.cmpf oeq, %get3A_316, %eq3A_317 : vector<16xf32>
        %mul3A_319 = arith.constant 16 : i32
        %mul3A_320 = arith.muli %scan3A_311, %mul3A_319 : i32
        %add3A_321 = vector.broadcast %mul3A_320 : i32 to vector<16xi32>
        %add3A_322 = arith.addi %add3A_321, %iota3A : vector<16xi32>
        %jit3A_323 = arith.constant 1073741824 : i32
        %broadcast_in_dim3A_324 = vector.broadcast %jit3A_323 : i32 to vector<16xi32>
        %select_n3A_325 = arith.select %eq3A_318, %add3A_322, %broadcast_in_dim3A_324 : vector<16xi1>, vector<16xi32>
        %min3A_326 = arith.minsi %scan3A_312, %select_n3A_325 : vector<16xi32>
        %scan3A_327 = arith.constant 1 : i32
        %scan3A_328 = arith.addi %scan3A_311, %scan3A_327 : i32
        %mul3A_329 = arith.constant 16 : i32
        %mul3A_330 = arith.muli %scan3A_328, %mul3A_329 : i32
        %get3A_331 = arith.index_cast %mul3A_330 : i32 to index
        %get3A_332 = tpu.vector_load %arg5[%get3A_331] {strides = array<i32>} : memref<256xf32, #tpu.memory_space<vmem>>, vector<16xf32>,
        %eq3A_333 = vector.broadcast %reduce_max3A_109 : f32 to vector<16xf32>
        %eq3A_334 = arith.cmpf oeq, %get3A_332, %eq3A_333 : vector<16xf32>
        %mul3A_335 = arith.constant 16 : i32
        %mul3A_336 = arith.muli %scan3A_328, %mul3A_335 : i32
        %add3A_337 = vector.broadcast %mul3A_336 : i32 to vector<16xi32>
        %add3A_338 = arith.addi %add3A_337, %iota3A : vector<16xi32>
        %jit3A_339 = arith.constant 1073741824 : i32
        %broadcast_in_dim3A_340 = vector.broadcast %jit3A_339 : i32 to vector<16xi32>
        %select_n3A_341 = arith.select %eq3A_334, %add3A_338, %broadcast_in_dim3A_340 : vector<16xi1>, vector<16xi32>
        %min3A_342 = arith.minsi %min3A_326, %select_n3A_341 : vector<16xi32>
        %scan3A_343 = arith.constant 2 : i32
        %scan3A_344 = arith.addi %scan3A_311, %scan3A_343 : i32
        %mul3A_345 = arith.constant 16 : i32
        %mul3A_346 = arith.muli %scan3A_344, %mul3A_345 : i32
        %get3A_347 = arith.index_cast %mul3A_346 : i32 to index
        %get3A_348 = tpu.vector_load %arg5[%get3A_347] {strides = array<i32>} : memref<256xf32, #tpu.memory_space<vmem>>, vector<16xf32>,
        %eq3A_349 = vector.broadcast %reduce_max3A_109 : f32 to vector<16xf32>
        %eq3A_350 = arith.cmpf oeq, %get3A_348, %eq3A_349 : vector<16xf32>
        %mul3A_351 = arith.constant 16 : i32
        %mul3A_352 = arith.muli %scan3A_344, %mul3A_351 : i32
        %add3A_353 = vector.broadcast %mul3A_352 : i32 to vector<16xi32>
        %add3A_354 = arith.addi %add3A_353, %iota3A : vector<16xi32>
        %jit3A_355 = arith.constant 1073741824 : i32
        %broadcast_in_dim3A_356 = vector.broadcast %jit3A_355 : i32 to vector<16xi32>
        %select_n3A_357 = arith.select %eq3A_350, %add3A_354, %broadcast_in_dim3A_356 : vector<16xi1>, vector<16xi32>
        %min3A_358 = arith.minsi %min3A_342, %select_n3A_357 : vector<16xi32>
        %scan3A_359 = arith.constant 3 : i32
        %scan3A_360 = arith.addi %scan3A_311, %scan3A_359 : i32
        %mul3A_361 = arith.constant 16 : i32
        %mul3A_362 = arith.muli %scan3A_360, %mul3A_361 : i32
        %get3A_363 = arith.index_cast %mul3A_362 : i32 to index
        %get3A_364 = tpu.vector_load %arg5[%get3A_363] {strides = array<i32>} : memref<256xf32, #tpu.memory_space<vmem>>, vector<16xf32>,
        %eq3A_365 = vector.broadcast %reduce_max3A_109 : f32 to vector<16xf32>
        %eq3A_366 = arith.cmpf oeq, %get3A_364, %eq3A_365 : vector<16xf32>
        %mul3A_367 = arith.constant 16 : i32
        %mul3A_368 = arith.muli %scan3A_360, %mul3A_367 : i32
        %add3A_369 = vector.broadcast %mul3A_368 : i32 to vector<16xi32>
        %add3A_370 = arith.addi %add3A_369, %iota3A : vector<16xi32>
        %jit3A_371 = arith.constant 1073741824 : i32
        %broadcast_in_dim3A_372 = vector.broadcast %jit3A_371 : i32 to vector<16xi32>
        %select_n3A_373 = arith.select %eq3A_366, %add3A_370, %broadcast_in_dim3A_372 : vector<16xi1>, vector<16xi32>
        %min3A_374 = arith.minsi %min3A_358, %select_n3A_373 : vector<16xi32>
        %scan3A_375 = arith.constant 4 : i32
        %scan3A_376 = arith.addi %scan3A_311, %scan3A_375 : i32
        %mul3A_377 = arith.constant 16 : i32
        %mul3A_378 = arith.muli %scan3A_376, %mul3A_377 : i32
        %get3A_379 = arith.index_cast %mul3A_378 : i32 to index
        %get3A_380 = tpu.vector_load %arg5[%get3A_379] {strides = array<i32>} : memref<256xf32, #tpu.memory_space<vmem>>, vector<16xf32>,
        %eq3A_381 = vector.broadcast %reduce_max3A_109 : f32 to vector<16xf32>
        %eq3A_382 = arith.cmpf oeq, %get3A_380, %eq3A_381 : vector<16xf32>
        %mul3A_383 = arith.constant 16 : i32
        %mul3A_384 = arith.muli %scan3A_376, %mul3A_383 : i32
        %add3A_385 = vector.broadcast %mul3A_384 : i32 to vector<16xi32>
        %add3A_386 = arith.addi %add3A_385, %iota3A : vector<16xi32>
        %jit3A_387 = arith.constant 1073741824 : i32
        %broadcast_in_dim3A_388 = vector.broadcast %jit3A_387 : i32 to vector<16xi32>
        %select_n3A_389 = arith.select %eq3A_382, %add3A_386, %broadcast_in_dim3A_388 : vector<16xi1>, vector<16xi32>
        %min3A_390 = arith.minsi %min3A_374, %select_n3A_389 : vector<16xi32>
        %scan3A_391 = arith.constant 5 : i32
        %scan3A_392 = arith.addi %scan3A_311, %scan3A_391 : i32
        %mul3A_393 = arith.constant 16 : i32
        %mul3A_394 = arith.muli %scan3A_392, %mul3A_393 : i32
        %get3A_395 = arith.index_cast %mul3A_394 : i32 to index
        %get3A_396 = tpu.vector_load %arg5[%get3A_395] {strides = array<i32>} : memref<256xf32, #tpu.memory_space<vmem>>, vector<16xf32>,
        %eq3A_397 = vector.broadcast %reduce_max3A_109 : f32 to vector<16xf32>
        %eq3A_398 = arith.cmpf oeq, %get3A_396, %eq3A_397 : vector<16xf32>
        %mul3A_399 = arith.constant 16 : i32
        %mul3A_400 = arith.muli %scan3A_392, %mul3A_399 : i32
        %add3A_401 = vector.broadcast %mul3A_400 : i32 to vector<16xi32>
        %add3A_402 = arith.addi %add3A_401, %iota3A : vector<16xi32>
        %jit3A_403 = arith.constant 1073741824 : i32
        %broadcast_in_dim3A_404 = vector.broadcast %jit3A_403 : i32 to vector<16xi32>
        %select_n3A_405 = arith.select %eq3A_398, %add3A_402, %broadcast_in_dim3A_404 : vector<16xi1>, vector<16xi32>
        %min3A_406 = arith.minsi %min3A_390, %select_n3A_405 : vector<16xi32>
        %scan3A_407 = arith.constant 6 : i32
        %scan3A_408 = arith.addi %scan3A_311, %scan3A_407 : i32
        %mul3A_409 = arith.constant 16 : i32
        %mul3A_410 = arith.muli %scan3A_408, %mul3A_409 : i32
        %get3A_411 = arith.index_cast %mul3A_410 : i32 to index
        %get3A_412 = tpu.vector_load %arg5[%get3A_411] {strides = array<i32>} : memref<256xf32, #tpu.memory_space<vmem>>, vector<16xf32>,
        %eq3A_413 = vector.broadcast %reduce_max3A_109 : f32 to vector<16xf32>
        %eq3A_414 = arith.cmpf oeq, %get3A_412, %eq3A_413 : vector<16xf32>
        %mul3A_415 = arith.constant 16 : i32
        %mul3A_416 = arith.muli %scan3A_408, %mul3A_415 : i32
        %add3A_417 = vector.broadcast %mul3A_416 : i32 to vector<16xi32>
        %add3A_418 = arith.addi %add3A_417, %iota3A : vector<16xi32>
        %jit3A_419 = arith.constant 1073741824 : i32
        %broadcast_in_dim3A_420 = vector.broadcast %jit3A_419 : i32 to vector<16xi32>
        %select_n3A_421 = arith.select %eq3A_414, %add3A_418, %broadcast_in_dim3A_420 : vector<16xi1>, vector<16xi32>
        %min3A_422 = arith.minsi %min3A_406, %select_n3A_421 : vector<16xi32>
        scf.yield %min3A_422 : vector<16xi32>
      }
      %scan3A_117 = arith.constant 14 : i32
      %scan3A_118 = arith.addi %scan3A_112, %scan3A_117 : i32
      %mul3A_119 = arith.constant 16 : i32
      %mul3A_120 = arith.muli %scan3A_118, %mul3A_119 : i32
      %get3A_121 = arith.index_cast %mul3A_120 : i32 to index
      %get3A_122 = tpu.vector_load %arg5[%get3A_121] {strides = array<i32>} : memref<256xf32, #tpu.memory_space<vmem>>, vector<16xf32>,
      %eq3A = vector.broadcast %reduce_max3A_109 : f32 to vector<16xf32>
      %eq3A_123 = arith.cmpf oeq, %get3A_122, %eq3A : vector<16xf32>
      %mul3A_124 = arith.constant 16 : i32
      %mul3A_125 = arith.muli %scan3A_118, %mul3A_124 : i32
      %add3A_126 = vector.broadcast %mul3A_125 : i32 to vector<16xi32>
      %add3A_127 = arith.addi %add3A_126, %iota3A : vector<16xi32>
      %jit3A_128 = arith.constant 1073741824 : i32
      %broadcast_in_dim3A_129 = vector.broadcast %jit3A_128 : i32 to vector<16xi32>
      %select_n3A_130 = arith.select %eq3A_123, %add3A_127, %broadcast_in_dim3A_129 : vector<16xi1>, vector<16xi32>
      %min3A = arith.minsi %scan3A_116, %select_n3A_130 : vector<16xi32>
      %scan3A_131 = arith.constant 15 : i32
      %scan3A_132 = arith.addi %scan3A_112, %scan3A_131 : i32
      %mul3A_133 = arith.constant 16 : i32
      %mul3A_134 = arith.muli %scan3A_132, %mul3A_133 : i32
      %get3A_135 = arith.index_cast %mul3A_134 : i32 to index
      %get3A_136 = tpu.vector_load %arg5[%get3A_135] {strides = array<i32>} : memref<256xf32, #tpu.memory_space<vmem>>, vector<16xf32>,
      %eq3A_137 = vector.broadcast %reduce_max3A_109 : f32 to vector<16xf32>
      %eq3A_138 = arith.cmpf oeq, %get3A_136, %eq3A_137 : vector<16xf32>
      %mul3A_139 = arith.constant 16 : i32
      %mul3A_140 = arith.muli %scan3A_132, %mul3A_139 : i32
      %add3A_141 = vector.broadcast %mul3A_140 : i32 to vector<16xi32>
      %add3A_142 = arith.addi %add3A_141, %iota3A : vector<16xi32>
      %jit3A_143 = arith.constant 1073741824 : i32
      %broadcast_in_dim3A_144 = vector.broadcast %jit3A_143 : i32 to vector<16xi32>
      %select_n3A_145 = arith.select %eq3A_138, %add3A_142, %broadcast_in_dim3A_144 : vector<16xi1>, vector<16xi32>
      %min3A_146 = arith.minsi %min3A, %select_n3A_145 : vector<16xi32>
      %scan3A_147 = arith.constant 16 : i32
      %reduce_min3A = arith.constant true
      %reduce_min3A_148 = vector.broadcast %reduce_min3A : i1 to vector<16xi1>
      %reduce_min3A_149 = arith.constant -2147483648 : i32
      %reduce_min3A_150 = vector.broadcast %reduce_min3A_149 : i32 to vector<16xi32>
      %reduce_min3A_151 = arith.xori %min3A_146, %reduce_min3A_150 : vector<16xi32>
      %reduce_min3A_152 = tpu.scan <min>, %reduce_min3A_151 masked %reduce_min3A_148 : vector<16xi32>, vector<16xi1> -> vector<16xi32>
      %reduce_min3A_153 = arith.xori %reduce_min3A_152, %reduce_min3A_150 : vector<16xi32>
      %reduce_min3A_154 = vector.extract %reduce_min3A_153[15] : i32 from vector<16xi32>
      %mul3A_155 = arith.constant 400 : i32
      %mul3A_156 = arith.muli %reduce_min3A_154, %mul3A_155 : i32
      %broadcast_in_dim3A_157 = arith.constant 1073741824 : i32
      %broadcast_in_dim3A_158 = vector.broadcast %broadcast_in_dim3A_157 : i32 to vector<16xi32>
      %scan3A_159 = arith.constant 0 : i32
      %scan3A_160 = arith.constant 21 : i32
      %scan3A_161 = arith.addi %scan3A_159, %scan3A_160 : i32
      %scan3A_162 = arith.constant 7 : i32
      %scan3A_163 = scf.for %scan3A_311 = %scan3A_159 to %scan3A_161 step %scan3A_162 iter_args(%scan3A_312 = %broadcast_in_dim3A_158) -> (vector<16xi32>)  : i32 {
        %mul3A_313 = arith.constant 16 : i32
        %mul3A_314 = arith.muli %scan3A_311, %mul3A_313 : i32
        %add3A_315 = arith.addi %mul3A_156, %mul3A_314 : i32
        %get3A_316 = arith.index_cast %add3A_315 : i32 to index
        %get3A_317 = tpu.vector_load %arg4[%get3A_316] {strides = array<i32>} : memref<102400xf32, #tpu.memory_space<vmem>>, vector<16xf32>,
        %eq3A_318 = vector.broadcast %reduce_max3A_109 : f32 to vector<16xf32>
        %eq3A_319 = arith.cmpf oeq, %get3A_317, %eq3A_318 : vector<16xf32>
        %mul3A_320 = arith.constant 16 : i32
        %mul3A_321 = arith.muli %scan3A_311, %mul3A_320 : i32
        %add3A_322 = arith.addi %mul3A_156, %mul3A_321 : i32
        %add3A_323 = vector.broadcast %add3A_322 : i32 to vector<16xi32>
        %add3A_324 = arith.addi %add3A_323, %iota3A : vector<16xi32>
        %jit3A_325 = arith.constant 1073741824 : i32
        %broadcast_in_dim3A_326 = vector.broadcast %jit3A_325 : i32 to vector<16xi32>
        %select_n3A_327 = arith.select %eq3A_319, %add3A_324, %broadcast_in_dim3A_326 : vector<16xi1>, vector<16xi32>
        %min3A_328 = arith.minsi %scan3A_312, %select_n3A_327 : vector<16xi32>
        %scan3A_329 = arith.constant 1 : i32
        %scan3A_330 = arith.addi %scan3A_311, %scan3A_329 : i32
        %mul3A_331 = arith.constant 16 : i32
        %mul3A_332 = arith.muli %scan3A_330, %mul3A_331 : i32
        %add3A_333 = arith.addi %mul3A_156, %mul3A_332 : i32
        %get3A_334 = arith.index_cast %add3A_333 : i32 to index
        %get3A_335 = tpu.vector_load %arg4[%get3A_334] {strides = array<i32>} : memref<102400xf32, #tpu.memory_space<vmem>>, vector<16xf32>,
        %eq3A_336 = vector.broadcast %reduce_max3A_109 : f32 to vector<16xf32>
        %eq3A_337 = arith.cmpf oeq, %get3A_335, %eq3A_336 : vector<16xf32>
        %mul3A_338 = arith.constant 16 : i32
        %mul3A_339 = arith.muli %scan3A_330, %mul3A_338 : i32
        %add3A_340 = arith.addi %mul3A_156, %mul3A_339 : i32
        %add3A_341 = vector.broadcast %add3A_340 : i32 to vector<16xi32>
        %add3A_342 = arith.addi %add3A_341, %iota3A : vector<16xi32>
        %jit3A_343 = arith.constant 1073741824 : i32
        %broadcast_in_dim3A_344 = vector.broadcast %jit3A_343 : i32 to vector<16xi32>
        %select_n3A_345 = arith.select %eq3A_337, %add3A_342, %broadcast_in_dim3A_344 : vector<16xi1>, vector<16xi32>
        %min3A_346 = arith.minsi %min3A_328, %select_n3A_345 : vector<16xi32>
        %scan3A_347 = arith.constant 2 : i32
        %scan3A_348 = arith.addi %scan3A_311, %scan3A_347 : i32
        %mul3A_349 = arith.constant 16 : i32
        %mul3A_350 = arith.muli %scan3A_348, %mul3A_349 : i32
        %add3A_351 = arith.addi %mul3A_156, %mul3A_350 : i32
        %get3A_352 = arith.index_cast %add3A_351 : i32 to index
        %get3A_353 = tpu.vector_load %arg4[%get3A_352] {strides = array<i32>} : memref<102400xf32, #tpu.memory_space<vmem>>, vector<16xf32>,
        %eq3A_354 = vector.broadcast %reduce_max3A_109 : f32 to vector<16xf32>
        %eq3A_355 = arith.cmpf oeq, %get3A_353, %eq3A_354 : vector<16xf32>
        %mul3A_356 = arith.constant 16 : i32
        %mul3A_357 = arith.muli %scan3A_348, %mul3A_356 : i32
        %add3A_358 = arith.addi %mul3A_156, %mul3A_357 : i32
        %add3A_359 = vector.broadcast %add3A_358 : i32 to vector<16xi32>
        %add3A_360 = arith.addi %add3A_359, %iota3A : vector<16xi32>
        %jit3A_361 = arith.constant 1073741824 : i32
        %broadcast_in_dim3A_362 = vector.broadcast %jit3A_361 : i32 to vector<16xi32>
        %select_n3A_363 = arith.select %eq3A_355, %add3A_360, %broadcast_in_dim3A_362 : vector<16xi1>, vector<16xi32>
        %min3A_364 = arith.minsi %min3A_346, %select_n3A_363 : vector<16xi32>
        %scan3A_365 = arith.constant 3 : i32
        %scan3A_366 = arith.addi %scan3A_311, %scan3A_365 : i32
        %mul3A_367 = arith.constant 16 : i32
        %mul3A_368 = arith.muli %scan3A_366, %mul3A_367 : i32
        %add3A_369 = arith.addi %mul3A_156, %mul3A_368 : i32
        %get3A_370 = arith.index_cast %add3A_369 : i32 to index
        %get3A_371 = tpu.vector_load %arg4[%get3A_370] {strides = array<i32>} : memref<102400xf32, #tpu.memory_space<vmem>>, vector<16xf32>,
        %eq3A_372 = vector.broadcast %reduce_max3A_109 : f32 to vector<16xf32>
        %eq3A_373 = arith.cmpf oeq, %get3A_371, %eq3A_372 : vector<16xf32>
        %mul3A_374 = arith.constant 16 : i32
        %mul3A_375 = arith.muli %scan3A_366, %mul3A_374 : i32
        %add3A_376 = arith.addi %mul3A_156, %mul3A_375 : i32
        %add3A_377 = vector.broadcast %add3A_376 : i32 to vector<16xi32>
        %add3A_378 = arith.addi %add3A_377, %iota3A : vector<16xi32>
        %jit3A_379 = arith.constant 1073741824 : i32
        %broadcast_in_dim3A_380 = vector.broadcast %jit3A_379 : i32 to vector<16xi32>
        %select_n3A_381 = arith.select %eq3A_373, %add3A_378, %broadcast_in_dim3A_380 : vector<16xi1>, vector<16xi32>
        %min3A_382 = arith.minsi %min3A_364, %select_n3A_381 : vector<16xi32>
        %scan3A_383 = arith.constant 4 : i32
        %scan3A_384 = arith.addi %scan3A_311, %scan3A_383 : i32
        %mul3A_385 = arith.constant 16 : i32
        %mul3A_386 = arith.muli %scan3A_384, %mul3A_385 : i32
        %add3A_387 = arith.addi %mul3A_156, %mul3A_386 : i32
        %get3A_388 = arith.index_cast %add3A_387 : i32 to index
        %get3A_389 = tpu.vector_load %arg4[%get3A_388] {strides = array<i32>} : memref<102400xf32, #tpu.memory_space<vmem>>, vector<16xf32>,
        %eq3A_390 = vector.broadcast %reduce_max3A_109 : f32 to vector<16xf32>
        %eq3A_391 = arith.cmpf oeq, %get3A_389, %eq3A_390 : vector<16xf32>
        %mul3A_392 = arith.constant 16 : i32
        %mul3A_393 = arith.muli %scan3A_384, %mul3A_392 : i32
        %add3A_394 = arith.addi %mul3A_156, %mul3A_393 : i32
        %add3A_395 = vector.broadcast %add3A_394 : i32 to vector<16xi32>
        %add3A_396 = arith.addi %add3A_395, %iota3A : vector<16xi32>
        %jit3A_397 = arith.constant 1073741824 : i32
        %broadcast_in_dim3A_398 = vector.broadcast %jit3A_397 : i32 to vector<16xi32>
        %select_n3A_399 = arith.select %eq3A_391, %add3A_396, %broadcast_in_dim3A_398 : vector<16xi1>, vector<16xi32>
        %min3A_400 = arith.minsi %min3A_382, %select_n3A_399 : vector<16xi32>
        %scan3A_401 = arith.constant 5 : i32
        %scan3A_402 = arith.addi %scan3A_311, %scan3A_401 : i32
        %mul3A_403 = arith.constant 16 : i32
        %mul3A_404 = arith.muli %scan3A_402, %mul3A_403 : i32
        %add3A_405 = arith.addi %mul3A_156, %mul3A_404 : i32
        %get3A_406 = arith.index_cast %add3A_405 : i32 to index
        %get3A_407 = tpu.vector_load %arg4[%get3A_406] {strides = array<i32>} : memref<102400xf32, #tpu.memory_space<vmem>>, vector<16xf32>,
        %eq3A_408 = vector.broadcast %reduce_max3A_109 : f32 to vector<16xf32>
        %eq3A_409 = arith.cmpf oeq, %get3A_407, %eq3A_408 : vector<16xf32>
        %mul3A_410 = arith.constant 16 : i32
        %mul3A_411 = arith.muli %scan3A_402, %mul3A_410 : i32
        %add3A_412 = arith.addi %mul3A_156, %mul3A_411 : i32
        %add3A_413 = vector.broadcast %add3A_412 : i32 to vector<16xi32>
        %add3A_414 = arith.addi %add3A_413, %iota3A : vector<16xi32>
        %jit3A_415 = arith.constant 1073741824 : i32
        %broadcast_in_dim3A_416 = vector.broadcast %jit3A_415 : i32 to vector<16xi32>
        %select_n3A_417 = arith.select %eq3A_409, %add3A_414, %broadcast_in_dim3A_416 : vector<16xi1>, vector<16xi32>
        %min3A_418 = arith.minsi %min3A_400, %select_n3A_417 : vector<16xi32>
        %scan3A_419 = arith.constant 6 : i32
        %scan3A_420 = arith.addi %scan3A_311, %scan3A_419 : i32
        %mul3A_421 = arith.constant 16 : i32
        %mul3A_422 = arith.muli %scan3A_420, %mul3A_421 : i32
        %add3A_423 = arith.addi %mul3A_156, %mul3A_422 : i32
        %get3A_424 = arith.index_cast %add3A_423 : i32 to index
        %get3A_425 = tpu.vector_load %arg4[%get3A_424] {strides = array<i32>} : memref<102400xf32, #tpu.memory_space<vmem>>, vector<16xf32>,
        %eq3A_426 = vector.broadcast %reduce_max3A_109 : f32 to vector<16xf32>
        %eq3A_427 = arith.cmpf oeq, %get3A_425, %eq3A_426 : vector<16xf32>
        %mul3A_428 = arith.constant 16 : i32
        %mul3A_429 = arith.muli %scan3A_420, %mul3A_428 : i32
        %add3A_430 = arith.addi %mul3A_156, %mul3A_429 : i32
        %add3A_431 = vector.broadcast %add3A_430 : i32 to vector<16xi32>
        %add3A_432 = arith.addi %add3A_431, %iota3A : vector<16xi32>
        %jit3A_433 = arith.constant 1073741824 : i32
        %broadcast_in_dim3A_434 = vector.broadcast %jit3A_433 : i32 to vector<16xi32>
        %select_n3A_435 = arith.select %eq3A_427, %add3A_432, %broadcast_in_dim3A_434 : vector<16xi1>, vector<16xi32>
        %min3A_436 = arith.minsi %min3A_418, %select_n3A_435 : vector<16xi32>
        scf.yield %min3A_436 : vector<16xi32>
      }
      %scan3A_164 = arith.constant 21 : i32
      %scan3A_165 = arith.addi %scan3A_159, %scan3A_164 : i32
      %mul3A_166 = arith.constant 16 : i32
      %mul3A_167 = arith.muli %scan3A_165, %mul3A_166 : i32
      %add3A_168 = arith.addi %mul3A_156, %mul3A_167 : i32
      %get3A_169 = arith.index_cast %add3A_168 : i32 to index
      %get3A_170 = tpu.vector_load %arg4[%get3A_169] {strides = array<i32>} : memref<102400xf32, #tpu.memory_space<vmem>>, vector<16xf32>,
      %eq3A_171 = vector.broadcast %reduce_max3A_109 : f32 to vector<16xf32>
      %eq3A_172 = arith.cmpf oeq, %get3A_170, %eq3A_171 : vector<16xf32>
      %mul3A_173 = arith.constant 16 : i32
      %mul3A_174 = arith.muli %scan3A_165, %mul3A_173 : i32
      %add3A_175 = arith.addi %mul3A_156, %mul3A_174 : i32
      %add3A_176 = vector.broadcast %add3A_175 : i32 to vector<16xi32>
      %add3A_177 = arith.addi %add3A_176, %iota3A : vector<16xi32>
      %jit3A_178 = arith.constant 1073741824 : i32
      %broadcast_in_dim3A_179 = vector.broadcast %jit3A_178 : i32 to vector<16xi32>
      %select_n3A_180 = arith.select %eq3A_172, %add3A_177, %broadcast_in_dim3A_179 : vector<16xi1>, vector<16xi32>
      %min3A_181 = arith.minsi %scan3A_163, %select_n3A_180 : vector<16xi32>
      %scan3A_182 = arith.constant 22 : i32
      %scan3A_183 = arith.addi %scan3A_159, %scan3A_182 : i32
      %mul3A_184 = arith.constant 16 : i32
      %mul3A_185 = arith.muli %scan3A_183, %mul3A_184 : i32
      %add3A_186 = arith.addi %mul3A_156, %mul3A_185 : i32
      %get3A_187 = arith.index_cast %add3A_186 : i32 to index
      %get3A_188 = tpu.vector_load %arg4[%get3A_187] {strides = array<i32>} : memref<102400xf32, #tpu.memory_space<vmem>>, vector<16xf32>,
      %eq3A_189 = vector.broadcast %reduce_max3A_109 : f32 to vector<16xf32>
      %eq3A_190 = arith.cmpf oeq, %get3A_188, %eq3A_189 : vector<16xf32>
      %mul3A_191 = arith.constant 16 : i32
      %mul3A_192 = arith.muli %scan3A_183, %mul3A_191 : i32
      %add3A_193 = arith.addi %mul3A_156, %mul3A_192 : i32
      %add3A_194 = vector.broadcast %add3A_193 : i32 to vector<16xi32>
      %add3A_195 = arith.addi %add3A_194, %iota3A : vector<16xi32>
      %jit3A_196 = arith.constant 1073741824 : i32
      %broadcast_in_dim3A_197 = vector.broadcast %jit3A_196 : i32 to vector<16xi32>
      %select_n3A_198 = arith.select %eq3A_190, %add3A_195, %broadcast_in_dim3A_197 : vector<16xi1>, vector<16xi32>
      %min3A_199 = arith.minsi %min3A_181, %select_n3A_198 : vector<16xi32>
      %scan3A_200 = arith.constant 23 : i32
      %scan3A_201 = arith.addi %scan3A_159, %scan3A_200 : i32
      %mul3A_202 = arith.constant 16 : i32
      %mul3A_203 = arith.muli %scan3A_201, %mul3A_202 : i32
      %add3A_204 = arith.addi %mul3A_156, %mul3A_203 : i32
      %get3A_205 = arith.index_cast %add3A_204 : i32 to index
      %get3A_206 = tpu.vector_load %arg4[%get3A_205] {strides = array<i32>} : memref<102400xf32, #tpu.memory_space<vmem>>, vector<16xf32>,
      %eq3A_207 = vector.broadcast %reduce_max3A_109 : f32 to vector<16xf32>
      %eq3A_208 = arith.cmpf oeq, %get3A_206, %eq3A_207 : vector<16xf32>
      %mul3A_209 = arith.constant 16 : i32
      %mul3A_210 = arith.muli %scan3A_201, %mul3A_209 : i32
      %add3A_211 = arith.addi %mul3A_156, %mul3A_210 : i32
      %add3A_212 = vector.broadcast %add3A_211 : i32 to vector<16xi32>
      %add3A_213 = arith.addi %add3A_212, %iota3A : vector<16xi32>
      %jit3A_214 = arith.constant 1073741824 : i32
      %broadcast_in_dim3A_215 = vector.broadcast %jit3A_214 : i32 to vector<16xi32>
      %select_n3A_216 = arith.select %eq3A_208, %add3A_213, %broadcast_in_dim3A_215 : vector<16xi1>, vector<16xi32>
      %min3A_217 = arith.minsi %min3A_199, %select_n3A_216 : vector<16xi32>
      %scan3A_218 = arith.constant 24 : i32
      %scan3A_219 = arith.addi %scan3A_159, %scan3A_218 : i32
      %mul3A_220 = arith.constant 16 : i32
      %mul3A_221 = arith.muli %scan3A_219, %mul3A_220 : i32
      %add3A_222 = arith.addi %mul3A_156, %mul3A_221 : i32
      %get3A_223 = arith.index_cast %add3A_222 : i32 to index
      %get3A_224 = tpu.vector_load %arg4[%get3A_223] {strides = array<i32>} : memref<102400xf32, #tpu.memory_space<vmem>>, vector<16xf32>,
      %eq3A_225 = vector.broadcast %reduce_max3A_109 : f32 to vector<16xf32>
      %eq3A_226 = arith.cmpf oeq, %get3A_224, %eq3A_225 : vector<16xf32>
      %mul3A_227 = arith.constant 16 : i32
      %mul3A_228 = arith.muli %scan3A_219, %mul3A_227 : i32
      %add3A_229 = arith.addi %mul3A_156, %mul3A_228 : i32
      %add3A_230 = vector.broadcast %add3A_229 : i32 to vector<16xi32>
      %add3A_231 = arith.addi %add3A_230, %iota3A : vector<16xi32>
      %jit3A_232 = arith.constant 1073741824 : i32
      %broadcast_in_dim3A_233 = vector.broadcast %jit3A_232 : i32 to vector<16xi32>
      %select_n3A_234 = arith.select %eq3A_226, %add3A_231, %broadcast_in_dim3A_233 : vector<16xi1>, vector<16xi32>
      %min3A_235 = arith.minsi %min3A_217, %select_n3A_234 : vector<16xi32>
      %scan3A_236 = arith.constant 25 : i32
      %reduce_min3A_237 = arith.constant true
      %reduce_min3A_238 = vector.broadcast %reduce_min3A_237 : i1 to vector<16xi1>
      %reduce_min3A_239 = arith.constant -2147483648 : i32
      %reduce_min3A_240 = vector.broadcast %reduce_min3A_239 : i32 to vector<16xi32>
      %reduce_min3A_241 = arith.xori %min3A_235, %reduce_min3A_240 : vector<16xi32>
      %reduce_min3A_242 = tpu.scan <min>, %reduce_min3A_241 masked %reduce_min3A_238 : vector<16xi32>, vector<16xi1> -> vector<16xi32>
      %reduce_min3A_243 = arith.xori %reduce_min3A_242, %reduce_min3A_240 : vector<16xi32>
      %reduce_min3A_244 = vector.extract %reduce_min3A_243[15] : i32 from vector<16xi32>
      %iota3A_245 = tpu.iota {dimensions = array<i32: 0>} : vector<16xi32>
      %broadcast_in_dim3A_246 = vector.broadcast %scan3A_84 : i32 to vector<16xi32>
      %broadcast_in_dim3A_247 = vector.broadcast %reduce_min3A_244 : i32 to vector<16xi32>
      %eq3A_248 = arith.constant 0 : i32
      %eq3A_249 = vector.broadcast %eq3A_248 : i32 to vector<16xi32>
      %eq3A_250 = arith.cmpi eq, %iota3A_245, %eq3A_249 : vector<16xi32>
      tpu.vector_store_idx %arg6[%broadcast_in_dim3A_246], %broadcast_in_dim3A_247 masked %eq3A_250 : memref<64xi32, #tpu.memory_space<vmem>>[vector<16xi32>], vector<16xi32>, vector<16xi1>
      %iota3A_251 = tpu.iota {dimensions = array<i32: 0>} : vector<16xi32>
      %broadcast_in_dim3A_252 = vector.broadcast %reduce_min3A_244 : i32 to vector<16xi32>
      %broadcast_in_dim3A_253 = arith.constant 0xFF800000 : f32
      %broadcast_in_dim3A_254 = vector.broadcast %broadcast_in_dim3A_253 : f32 to vector<16xf32>
      %eq3A_255 = arith.constant 0 : i32
      %eq3A_256 = vector.broadcast %eq3A_255 : i32 to vector<16xi32>
      %eq3A_257 = arith.cmpi eq, %iota3A_251, %eq3A_256 : vector<16xi32>
      tpu.vector_store_idx %arg4[%broadcast_in_dim3A_252], %broadcast_in_dim3A_254 masked %eq3A_257 : memref<102400xf32, #tpu.memory_space<vmem>>[vector<16xi32>], vector<16xf32>, vector<16xi1>
      %mul3A_258 = arith.constant 400 : i32
      %mul3A_259 = arith.muli %reduce_min3A_154, %mul3A_258 : i32
      %broadcast_in_dim3A_260 = arith.constant 0xFF800000 : f32
      %broadcast_in_dim3A_261 = vector.broadcast %broadcast_in_dim3A_260 : f32 to vector<16xf32>
      %scan3A_262 = arith.constant 0 : i32
      %scan3A_263 = arith.constant 21 : i32
      %scan3A_264 = arith.addi %scan3A_262, %scan3A_263 : i32
      %scan3A_265 = arith.constant 7 : i32
      %scan3A_266 = scf.for %scan3A_311 = %scan3A_262 to %scan3A_264 step %scan3A_265 iter_args(%scan3A_312 = %broadcast_in_dim3A_261) -> (vector<16xf32>)  : i32 {
        %mul3A_313 = arith.constant 16 : i32
        %mul3A_314 = arith.muli %scan3A_311, %mul3A_313 : i32
        %add3A_315 = arith.addi %mul3A_259, %mul3A_314 : i32
        %get3A_316 = arith.index_cast %add3A_315 : i32 to index
        %get3A_317 = tpu.vector_load %arg4[%get3A_316] {strides = array<i32>} : memref<102400xf32, #tpu.memory_space<vmem>>, vector<16xf32>,
        %max3A_318 = arith.maximumf %scan3A_312, %get3A_317 : vector<16xf32>
        %scan3A_319 = arith.constant 1 : i32
        %scan3A_320 = arith.addi %scan3A_311, %scan3A_319 : i32
        %mul3A_321 = arith.constant 16 : i32
        %mul3A_322 = arith.muli %scan3A_320, %mul3A_321 : i32
        %add3A_323 = arith.addi %mul3A_259, %mul3A_322 : i32
        %get3A_324 = arith.index_cast %add3A_323 : i32 to index
        %get3A_325 = tpu.vector_load %arg4[%get3A_324] {strides = array<i32>} : memref<102400xf32, #tpu.memory_space<vmem>>, vector<16xf32>,
        %max3A_326 = arith.maximumf %max3A_318, %get3A_325 : vector<16xf32>
        %scan3A_327 = arith.constant 2 : i32
        %scan3A_328 = arith.addi %scan3A_311, %scan3A_327 : i32
        %mul3A_329 = arith.constant 16 : i32
        %mul3A_330 = arith.muli %scan3A_328, %mul3A_329 : i32
        %add3A_331 = arith.addi %mul3A_259, %mul3A_330 : i32
        %get3A_332 = arith.index_cast %add3A_331 : i32 to index
        %get3A_333 = tpu.vector_load %arg4[%get3A_332] {strides = array<i32>} : memref<102400xf32, #tpu.memory_space<vmem>>, vector<16xf32>,
        %max3A_334 = arith.maximumf %max3A_326, %get3A_333 : vector<16xf32>
        %scan3A_335 = arith.constant 3 : i32
        %scan3A_336 = arith.addi %scan3A_311, %scan3A_335 : i32
        %mul3A_337 = arith.constant 16 : i32
        %mul3A_338 = arith.muli %scan3A_336, %mul3A_337 : i32
        %add3A_339 = arith.addi %mul3A_259, %mul3A_338 : i32
        %get3A_340 = arith.index_cast %add3A_339 : i32 to index
        %get3A_341 = tpu.vector_load %arg4[%get3A_340] {strides = array<i32>} : memref<102400xf32, #tpu.memory_space<vmem>>, vector<16xf32>,
        %max3A_342 = arith.maximumf %max3A_334, %get3A_341 : vector<16xf32>
        %scan3A_343 = arith.constant 4 : i32
        %scan3A_344 = arith.addi %scan3A_311, %scan3A_343 : i32
        %mul3A_345 = arith.constant 16 : i32
        %mul3A_346 = arith.muli %scan3A_344, %mul3A_345 : i32
        %add3A_347 = arith.addi %mul3A_259, %mul3A_346 : i32
        %get3A_348 = arith.index_cast %add3A_347 : i32 to index
        %get3A_349 = tpu.vector_load %arg4[%get3A_348] {strides = array<i32>} : memref<102400xf32, #tpu.memory_space<vmem>>, vector<16xf32>,
        %max3A_350 = arith.maximumf %max3A_342, %get3A_349 : vector<16xf32>
        %scan3A_351 = arith.constant 5 : i32
        %scan3A_352 = arith.addi %scan3A_311, %scan3A_351 : i32
        %mul3A_353 = arith.constant 16 : i32
        %mul3A_354 = arith.muli %scan3A_352, %mul3A_353 : i32
        %add3A_355 = arith.addi %mul3A_259, %mul3A_354 : i32
        %get3A_356 = arith.index_cast %add3A_355 : i32 to index
        %get3A_357 = tpu.vector_load %arg4[%get3A_356] {strides = array<i32>} : memref<102400xf32, #tpu.memory_space<vmem>>, vector<16xf32>,
        %max3A_358 = arith.maximumf %max3A_350, %get3A_357 : vector<16xf32>
        %scan3A_359 = arith.constant 6 : i32
        %scan3A_360 = arith.addi %scan3A_311, %scan3A_359 : i32
        %mul3A_361 = arith.constant 16 : i32
        %mul3A_362 = arith.muli %scan3A_360, %mul3A_361 : i32
        %add3A_363 = arith.addi %mul3A_259, %mul3A_362 : i32
        %get3A_364 = arith.index_cast %add3A_363 : i32 to index
        %get3A_365 = tpu.vector_load %arg4[%get3A_364] {strides = array<i32>} : memref<102400xf32, #tpu.memory_space<vmem>>, vector<16xf32>,
        %max3A_366 = arith.maximumf %max3A_358, %get3A_365 : vector<16xf32>
        scf.yield %max3A_366 : vector<16xf32>
      }
      %scan3A_267 = arith.constant 21 : i32
      %scan3A_268 = arith.addi %scan3A_262, %scan3A_267 : i32
      %mul3A_269 = arith.constant 16 : i32
      %mul3A_270 = arith.muli %scan3A_268, %mul3A_269 : i32
      %add3A_271 = arith.addi %mul3A_259, %mul3A_270 : i32
      %get3A_272 = arith.index_cast %add3A_271 : i32 to index
      %get3A_273 = tpu.vector_load %arg4[%get3A_272] {strides = array<i32>} : memref<102400xf32, #tpu.memory_space<vmem>>, vector<16xf32>,
      %max3A_274 = arith.maximumf %scan3A_266, %get3A_273 : vector<16xf32>
      %scan3A_275 = arith.constant 22 : i32
      %scan3A_276 = arith.addi %scan3A_262, %scan3A_275 : i32
      %mul3A_277 = arith.constant 16 : i32
      %mul3A_278 = arith.muli %scan3A_276, %mul3A_277 : i32
      %add3A_279 = arith.addi %mul3A_259, %mul3A_278 : i32
      %get3A_280 = arith.index_cast %add3A_279 : i32 to index
      %get3A_281 = tpu.vector_load %arg4[%get3A_280] {strides = array<i32>} : memref<102400xf32, #tpu.memory_space<vmem>>, vector<16xf32>,
      %max3A_282 = arith.maximumf %max3A_274, %get3A_281 : vector<16xf32>
      %scan3A_283 = arith.constant 23 : i32
      %scan3A_284 = arith.addi %scan3A_262, %scan3A_283 : i32
      %mul3A_285 = arith.constant 16 : i32
      %mul3A_286 = arith.muli %scan3A_284, %mul3A_285 : i32
      %add3A_287 = arith.addi %mul3A_259, %mul3A_286 : i32
      %get3A_288 = arith.index_cast %add3A_287 : i32 to index
      %get3A_289 = tpu.vector_load %arg4[%get3A_288] {strides = array<i32>} : memref<102400xf32, #tpu.memory_space<vmem>>, vector<16xf32>,
      %max3A_290 = arith.maximumf %max3A_282, %get3A_289 : vector<16xf32>
      %scan3A_291 = arith.constant 24 : i32
      %scan3A_292 = arith.addi %scan3A_262, %scan3A_291 : i32
      %mul3A_293 = arith.constant 16 : i32
      %mul3A_294 = arith.muli %scan3A_292, %mul3A_293 : i32
      %add3A_295 = arith.addi %mul3A_259, %mul3A_294 : i32
      %get3A_296 = arith.index_cast %add3A_295 : i32 to index
      %get3A_297 = tpu.vector_load %arg4[%get3A_296] {strides = array<i32>} : memref<102400xf32, #tpu.memory_space<vmem>>, vector<16xf32>,
      %max3A_298 = arith.maximumf %max3A_290, %get3A_297 : vector<16xf32>
      %scan3A_299 = arith.constant 25 : i32
      %reduce_max3A_300 = arith.constant true
      %reduce_max3A_301 = vector.broadcast %reduce_max3A_300 : i1 to vector<16xi1>
      %reduce_max3A_302 = tpu.scan <max>, %max3A_298 masked %reduce_max3A_301 : vector<16xf32>, vector<16xi1> -> vector<16xf32>
      %reduce_max3A_303 = vector.extract %reduce_max3A_302[15] : f32 from vector<16xf32>
      %iota3A_304 = tpu.iota {dimensions = array<i32: 0>} : vector<16xi32>
      %broadcast_in_dim3A_305 = vector.broadcast %reduce_min3A_154 : i32 to vector<16xi32>
      %broadcast_in_dim3A_306 = vector.broadcast %reduce_max3A_303 : f32 to vector<16xf32>
      %eq3A_307 = arith.constant 0 : i32
      %eq3A_308 = vector.broadcast %eq3A_307 : i32 to vector<16xi32>
      %eq3A_309 = arith.cmpi eq, %iota3A_304, %eq3A_308 : vector<16xi32>
      tpu.vector_store_idx %arg5[%broadcast_in_dim3A_305], %broadcast_in_dim3A_306 masked %eq3A_309 : memref<256xf32, #tpu.memory_space<vmem>>[vector<16xi32>], vector<16xf32>, vector<16xi1>
      %scan3A_310 = arith.constant 0 : i32
      scf.yield %scan3A_310 : i32
    }
    %scan3A_13 = arith.constant 50 : i32
    %scan3A_14 = arith.constant 0 : i32
    %scan3A_15 = arith.constant 0 : i32
    %scan3A_16 = arith.constant 6400 : i32
    %scan3A_17 = arith.addi %scan3A_15, %scan3A_16 : i32
    %scan3A_18 = arith.constant 8 : i32
    %scan3A_19 = scf.for %scan3A_84 = %scan3A_15 to %scan3A_17 step %scan3A_18 iter_args(%scan3A_85 = %scan3A_14) -> (i32)  : i32 {
      %broadcast_in_dim3A_86 = arith.constant 0.000000e+00 : f32
      %broadcast_in_dim3A_87 = vector.broadcast %broadcast_in_dim3A_86 : f32 to vector<16xf32>
      %mul3A_88 = arith.constant 16 : i32
      %mul3A_89 = arith.muli %scan3A_84, %mul3A_88 : i32
      %swap3A = arith.index_cast %mul3A_89 : i32 to index
      %swap3A_90 = tpu.vector_load %arg4[%swap3A] {strides = array<i32>} : memref<102400xf32, #tpu.memory_space<vmem>>, vector<16xf32>,
      tpu.vector_store %arg4[%swap3A], %broadcast_in_dim3A_87 {strides = array<i32>} : memref<102400xf32, #tpu.memory_space<vmem>>, vector<16xf32>,
      %scan3A_91 = arith.constant 0 : i32
      %scan3A_92 = arith.constant 1 : i32
      %scan3A_93 = arith.addi %scan3A_84, %scan3A_92 : i32
      %broadcast_in_dim3A_94 = arith.constant 0.000000e+00 : f32
      %broadcast_in_dim3A_95 = vector.broadcast %broadcast_in_dim3A_94 : f32 to vector<16xf32>
      %mul3A_96 = arith.constant 16 : i32
      %mul3A_97 = arith.muli %scan3A_93, %mul3A_96 : i32
      %swap3A_98 = arith.index_cast %mul3A_97 : i32 to index
      %swap3A_99 = tpu.vector_load %arg4[%swap3A_98] {strides = array<i32>} : memref<102400xf32, #tpu.memory_space<vmem>>, vector<16xf32>,
      tpu.vector_store %arg4[%swap3A_98], %broadcast_in_dim3A_95 {strides = array<i32>} : memref<102400xf32, #tpu.memory_space<vmem>>, vector<16xf32>,
      %scan3A_100 = arith.constant 0 : i32
      %scan3A_101 = arith.constant 2 : i32
      %scan3A_102 = arith.addi %scan3A_84, %scan3A_101 : i32
      %broadcast_in_dim3A_103 = arith.constant 0.000000e+00 : f32
      %broadcast_in_dim3A_104 = vector.broadcast %broadcast_in_dim3A_103 : f32 to vector<16xf32>
      %mul3A_105 = arith.constant 16 : i32
      %mul3A_106 = arith.muli %scan3A_102, %mul3A_105 : i32
      %swap3A_107 = arith.index_cast %mul3A_106 : i32 to index
      %swap3A_108 = tpu.vector_load %arg4[%swap3A_107] {strides = array<i32>} : memref<102400xf32, #tpu.memory_space<vmem>>, vector<16xf32>,
      tpu.vector_store %arg4[%swap3A_107], %broadcast_in_dim3A_104 {strides = array<i32>} : memref<102400xf32, #tpu.memory_space<vmem>>, vector<16xf32>,
      %scan3A_109 = arith.constant 0 : i32
      %scan3A_110 = arith.constant 3 : i32
      %scan3A_111 = arith.addi %scan3A_84, %scan3A_110 : i32
      %broadcast_in_dim3A_112 = arith.constant 0.000000e+00 : f32
      %broadcast_in_dim3A_113 = vector.broadcast %broadcast_in_dim3A_112 : f32 to vector<16xf32>
      %mul3A_114 = arith.constant 16 : i32
      %mul3A_115 = arith.muli %scan3A_111, %mul3A_114 : i32
      %swap3A_116 = arith.index_cast %mul3A_115 : i32 to index
      %swap3A_117 = tpu.vector_load %arg4[%swap3A_116] {strides = array<i32>} : memref<102400xf32, #tpu.memory_space<vmem>>, vector<16xf32>,
      tpu.vector_store %arg4[%swap3A_116], %broadcast_in_dim3A_113 {strides = array<i32>} : memref<102400xf32, #tpu.memory_space<vmem>>, vector<16xf32>,
      %scan3A_118 = arith.constant 0 : i32
      %scan3A_119 = arith.constant 4 : i32
      %scan3A_120 = arith.addi %scan3A_84, %scan3A_119 : i32
      %broadcast_in_dim3A_121 = arith.constant 0.000000e+00 : f32
      %broadcast_in_dim3A_122 = vector.broadcast %broadcast_in_dim3A_121 : f32 to vector<16xf32>
      %mul3A_123 = arith.constant 16 : i32
      %mul3A_124 = arith.muli %scan3A_120, %mul3A_123 : i32
      %swap3A_125 = arith.index_cast %mul3A_124 : i32 to index
      %swap3A_126 = tpu.vector_load %arg4[%swap3A_125] {strides = array<i32>} : memref<102400xf32, #tpu.memory_space<vmem>>, vector<16xf32>,
      tpu.vector_store %arg4[%swap3A_125], %broadcast_in_dim3A_122 {strides = array<i32>} : memref<102400xf32, #tpu.memory_space<vmem>>, vector<16xf32>,
      %scan3A_127 = arith.constant 0 : i32
      %scan3A_128 = arith.constant 5 : i32
      %scan3A_129 = arith.addi %scan3A_84, %scan3A_128 : i32
      %broadcast_in_dim3A_130 = arith.constant 0.000000e+00 : f32
      %broadcast_in_dim3A_131 = vector.broadcast %broadcast_in_dim3A_130 : f32 to vector<16xf32>
      %mul3A_132 = arith.constant 16 : i32
      %mul3A_133 = arith.muli %scan3A_129, %mul3A_132 : i32
      %swap3A_134 = arith.index_cast %mul3A_133 : i32 to index
      %swap3A_135 = tpu.vector_load %arg4[%swap3A_134] {strides = array<i32>} : memref<102400xf32, #tpu.memory_space<vmem>>, vector<16xf32>,
      tpu.vector_store %arg4[%swap3A_134], %broadcast_in_dim3A_131 {strides = array<i32>} : memref<102400xf32, #tpu.memory_space<vmem>>, vector<16xf32>,
      %scan3A_136 = arith.constant 0 : i32
      %scan3A_137 = arith.constant 6 : i32
      %scan3A_138 = arith.addi %scan3A_84, %scan3A_137 : i32
      %broadcast_in_dim3A_139 = arith.constant 0.000000e+00 : f32
      %broadcast_in_dim3A_140 = vector.broadcast %broadcast_in_dim3A_139 : f32 to vector<16xf32>
      %mul3A_141 = arith.constant 16 : i32
      %mul3A_142 = arith.muli %scan3A_138, %mul3A_141 : i32
      %swap3A_143 = arith.index_cast %mul3A_142 : i32 to index
      %swap3A_144 = tpu.vector_load %arg4[%swap3A_143] {strides = array<i32>} : memref<102400xf32, #tpu.memory_space<vmem>>, vector<16xf32>,
      tpu.vector_store %arg4[%swap3A_143], %broadcast_in_dim3A_140 {strides = array<i32>} : memref<102400xf32, #tpu.memory_space<vmem>>, vector<16xf32>,
      %scan3A_145 = arith.constant 0 : i32
      %scan3A_146 = arith.constant 7 : i32
      %scan3A_147 = arith.addi %scan3A_84, %scan3A_146 : i32
      %broadcast_in_dim3A_148 = arith.constant 0.000000e+00 : f32
      %broadcast_in_dim3A_149 = vector.broadcast %broadcast_in_dim3A_148 : f32 to vector<16xf32>
      %mul3A_150 = arith.constant 16 : i32
      %mul3A_151 = arith.muli %scan3A_147, %mul3A_150 : i32
      %swap3A_152 = arith.index_cast %mul3A_151 : i32 to index
      %swap3A_153 = tpu.vector_load %arg4[%swap3A_152] {strides = array<i32>} : memref<102400xf32, #tpu.memory_space<vmem>>, vector<16xf32>,
      tpu.vector_store %arg4[%swap3A_152], %broadcast_in_dim3A_149 {strides = array<i32>} : memref<102400xf32, #tpu.memory_space<vmem>>, vector<16xf32>,
      %scan3A_154 = arith.constant 0 : i32
      scf.yield %scan3A_154 : i32
    }
    %scan3A_20 = arith.constant 6400 : i32
    %get3A = arith.constant 0 : index
    %get3A_21 = tpu.vector_load %arg6[%get3A] {strides = array<i32>} : memref<64xi32, #tpu.memory_space<vmem>>, vector<16xi32>,
    %add3A_22 = arith.constant 0 : i32
    %add3A_23 = vector.broadcast %add3A_22 : i32 to vector<16xi32>
    %add3A_24 = arith.addi %add3A_23, %iota3A : vector<16xi32>
    %lt3A = arith.constant 50 : i32
    %lt3A_25 = vector.broadcast %lt3A : i32 to vector<16xi32>
    %lt3A_26 = arith.cmpi slt, %add3A_24, %lt3A_25 : vector<16xi32>
    %add3A_27 = arith.constant 100000 : i32
    %add3A_28 = vector.broadcast %add3A_27 : i32 to vector<16xi32>
    %add3A_29 = arith.addi %add3A_28, %iota3A : vector<16xi32>
    %select_n3A = arith.select %lt3A_26, %get3A_21, %add3A_29 : vector<16xi1>, vector<16xi32>
    %jit3A = arith.constant 1.000000e+00 : f32
    %jit3A_30 = arith.constant 0.000000e+00 : f32
    %broadcast_in_dim3A = vector.broadcast %jit3A : f32 to vector<16xf32>
    %broadcast_in_dim3A_31 = vector.broadcast %jit3A_30 : f32 to vector<16xf32>
    %select_n3A_32 = arith.select %lt3A_26, %broadcast_in_dim3A, %broadcast_in_dim3A_31 : vector<16xi1>, vector<16xf32>
    tpu.vector_store_idx %arg4[%select_n3A], %select_n3A_32 : memref<102400xf32, #tpu.memory_space<vmem>>[vector<16xi32>], vector<16xf32>,
    %get3A_33 = arith.constant 16 : index
    %get3A_34 = tpu.vector_load %arg6[%get3A_33] {strides = array<i32>} : memref<64xi32, #tpu.memory_space<vmem>>, vector<16xi32>,
    %add3A_35 = arith.constant 16 : i32
    %add3A_36 = vector.broadcast %add3A_35 : i32 to vector<16xi32>
    %add3A_37 = arith.addi %add3A_36, %iota3A : vector<16xi32>
    %lt3A_38 = arith.constant 50 : i32
    %lt3A_39 = vector.broadcast %lt3A_38 : i32 to vector<16xi32>
    %lt3A_40 = arith.cmpi slt, %add3A_37, %lt3A_39 : vector<16xi32>
    %add3A_41 = arith.constant 100016 : i32
    %add3A_42 = vector.broadcast %add3A_41 : i32 to vector<16xi32>
    %add3A_43 = arith.addi %add3A_42, %iota3A : vector<16xi32>
    %select_n3A_44 = arith.select %lt3A_40, %get3A_34, %add3A_43 : vector<16xi1>, vector<16xi32>
    %jit3A_45 = arith.constant 1.000000e+00 : f32
    %jit3A_46 = arith.constant 0.000000e+00 : f32
    %broadcast_in_dim3A_47 = vector.broadcast %jit3A_45 : f32 to vector<16xf32>
    %broadcast_in_dim3A_48 = vector.broadcast %jit3A_46 : f32 to vector<16xf32>
    %select_n3A_49 = arith.select %lt3A_40, %broadcast_in_dim3A_47, %broadcast_in_dim3A_48 : vector<16xi1>, vector<16xf32>
    tpu.vector_store_idx %arg4[%select_n3A_44], %select_n3A_49 : memref<102400xf32, #tpu.memory_space<vmem>>[vector<16xi32>], vector<16xf32>,
    %get3A_50 = arith.constant 32 : index
    %get3A_51 = tpu.vector_load %arg6[%get3A_50] {strides = array<i32>} : memref<64xi32, #tpu.memory_space<vmem>>, vector<16xi32>,
    %add3A_52 = arith.constant 32 : i32
    %add3A_53 = vector.broadcast %add3A_52 : i32 to vector<16xi32>
    %add3A_54 = arith.addi %add3A_53, %iota3A : vector<16xi32>
    %lt3A_55 = arith.constant 50 : i32
    %lt3A_56 = vector.broadcast %lt3A_55 : i32 to vector<16xi32>
    %lt3A_57 = arith.cmpi slt, %add3A_54, %lt3A_56 : vector<16xi32>
    %add3A_58 = arith.constant 100032 : i32
    %add3A_59 = vector.broadcast %add3A_58 : i32 to vector<16xi32>
    %add3A_60 = arith.addi %add3A_59, %iota3A : vector<16xi32>
    %select_n3A_61 = arith.select %lt3A_57, %get3A_51, %add3A_60 : vector<16xi1>, vector<16xi32>
    %jit3A_62 = arith.constant 1.000000e+00 : f32
    %jit3A_63 = arith.constant 0.000000e+00 : f32
    %broadcast_in_dim3A_64 = vector.broadcast %jit3A_62 : f32 to vector<16xf32>
    %broadcast_in_dim3A_65 = vector.broadcast %jit3A_63 : f32 to vector<16xf32>
    %select_n3A_66 = arith.select %lt3A_57, %broadcast_in_dim3A_64, %broadcast_in_dim3A_65 : vector<16xi1>, vector<16xf32>
    tpu.vector_store_idx %arg4[%select_n3A_61], %select_n3A_66 : memref<102400xf32, #tpu.memory_space<vmem>>[vector<16xi32>], vector<16xf32>,
    %get3A_67 = arith.constant 48 : index
    %get3A_68 = tpu.vector_load %arg6[%get3A_67] {strides = array<i32>} : memref<64xi32, #tpu.memory_space<vmem>>, vector<16xi32>,
    %add3A_69 = arith.constant 48 : i32
    %add3A_70 = vector.broadcast %add3A_69 : i32 to vector<16xi32>
    %add3A_71 = arith.addi %add3A_70, %iota3A : vector<16xi32>
    %lt3A_72 = arith.constant 50 : i32
    %lt3A_73 = vector.broadcast %lt3A_72 : i32 to vector<16xi32>
    %lt3A_74 = arith.cmpi slt, %add3A_71, %lt3A_73 : vector<16xi32>
    %add3A_75 = arith.constant 100048 : i32
    %add3A_76 = vector.broadcast %add3A_75 : i32 to vector<16xi32>
    %add3A_77 = arith.addi %add3A_76, %iota3A : vector<16xi32>
    %select_n3A_78 = arith.select %lt3A_74, %get3A_68, %add3A_77 : vector<16xi1>, vector<16xi32>
    %jit3A_79 = arith.constant 1.000000e+00 : f32
    %jit3A_80 = arith.constant 0.000000e+00 : f32
    %broadcast_in_dim3A_81 = vector.broadcast %jit3A_79 : f32 to vector<16xf32>
    %broadcast_in_dim3A_82 = vector.broadcast %jit3A_80 : f32 to vector<16xf32>
    %select_n3A_83 = arith.select %lt3A_74, %broadcast_in_dim3A_81, %broadcast_in_dim3A_82 : vector<16xi1>, vector<16xf32>
    tpu.vector_store_idx %arg4[%select_n3A_78], %select_n3A_83 : memref<102400xf32, #tpu.memory_space<vmem>>[vector<16xi32>], vector<16xf32>,
    "tpu.region"() ({
      %run_scoped3A = tpu.sem_alloc : memref<!tpu.dma_semaphore, #tpu.memory_space<semaphore_mem>>
      %dma_start3A = arith.constant 0 : i32
      %dma_start3A_84 = tpu.memref_slice %arg3[%add3A, %dma_start3A] : memref<32x102400xf32, #tpu.memory_space<hbm>> -> memref<1x102400xf32, #tpu.memory_space<hbm>>
      %dma_start3A_85 = tpu.memref_squeeze %dma_start3A_84 : memref<1x102400xf32, #tpu.memory_space<hbm>> -> memref<102400xf32, #tpu.memory_space<hbm>>
      %dma_start3A_86 = arith.constant 0 : i32
      %dma_start3A_87 = tpu.memref_slice %arg3[%add3A, %dma_start3A_86] : memref<32x102400xf32, #tpu.memory_space<hbm>> -> memref<1x102400xf32, #tpu.memory_space<hbm>>
      %dma_start3A_88 = tpu.memref_squeeze %dma_start3A_87 : memref<1x102400xf32, #tpu.memory_space<hbm>> -> memref<102400xf32, #tpu.memory_space<hbm>>
      tpu.enqueue_dma source(%arg4 : memref<102400xf32, #tpu.memory_space<vmem>>) target(%dma_start3A_88 : memref<102400xf32, #tpu.memory_space<hbm>>) target_semaphore(%run_scoped3A : memref<!tpu.dma_semaphore, #tpu.memory_space<semaphore_mem>>)
      %dma_wait3A = arith.constant 0 : i32
      %dma_wait3A_89 = tpu.memref_slice %arg3[%add3A, %dma_wait3A] : memref<32x102400xf32, #tpu.memory_space<hbm>> -> memref<1x102400xf32, #tpu.memory_space<hbm>>
      %dma_wait3A_90 = tpu.memref_squeeze %dma_wait3A_89 : memref<1x102400xf32, #tpu.memory_space<hbm>> -> memref<102400xf32, #tpu.memory_space<hbm>>
      %dma_wait3A_91 = arith.constant 0 : i32
      %dma_wait3A_92 = tpu.memref_slice %arg3[%add3A, %dma_wait3A_91] : memref<32x102400xf32, #tpu.memory_space<hbm>> -> memref<1x102400xf32, #tpu.memory_space<hbm>>
      %dma_wait3A_93 = tpu.memref_squeeze %dma_wait3A_92 : memref<1x102400xf32, #tpu.memory_space<hbm>> -> memref<102400xf32, #tpu.memory_space<hbm>>
      tpu.wait_dma2 semaphore(%run_scoped3A : memref<!tpu.dma_semaphore, #tpu.memory_space<semaphore_mem>>) src(%arg4 : memref<102400xf32, #tpu.memory_space<vmem>>) dst(%dma_wait3A_93 : memref<102400xf32, #tpu.memory_space<hbm>>)
      tpu.yield
    }) : () -> ()
    return
  }
}

module attributes {stable_mosaic.version = 14 : i64} {
  func.func @_matmul_body(%arg0: i32, %arg1: memref<32x5120xf32, #tpu.memory_space<vmem>>, %arg2: memref<512x5120xf32, #tpu.memory_space<vmem>>, %arg3: memref<512xf32, #tpu.memory_space<vmem>>, %arg4: memref<32x512xf32, #tpu.memory_space<vmem>>, %arg5: memref<32x512xf32, #tpu.memory_space<vmem>>) attributes {dimension_semantics = [#tpu.dimension_semantics<arbitrary>], iteration_bounds = array<i64: 20>, scalar_prefetch = 0 : i64, scratch_operands = 1 : i64, tpu.core_type = #tpu.core_type<tc>, window_params = [{transform_indices = @transform_0, window_bounds = array<i64: 32, 5120>}, {transform_indices = @transform_1, window_bounds = array<i64: 512, 5120>}, {pipeline_mode = #tpu.pipeline_mode<synchronous>, transform_indices = @transform_2, window_bounds = array<i64: 512>}, {pipeline_mode = #tpu.pipeline_mode<synchronous>, transform_indices = @transform_3, window_bounds = array<i64: 32, 512>}]} {
    %eq3A = arith.constant 0 : i32
    %eq3A_0 = arith.cmpi eq, %arg0, %eq3A : i32
    %convert_element_type3A = arith.extui %eq3A_0 : i1 to i32
    %cond3A = arith.constant 0 : i32
    %cond3A_1 = arith.cmpi ne, %convert_element_type3A, %cond3A : i32
    scf.if %cond3A_1 {
      %get3A = arith.constant 0 : index
      %get3A_16 = vector.load %arg3[%get3A] : memref<512xf32, #tpu.memory_space<vmem>>, vector<512xf32>
      %broadcast_in_dim3A = vector.shape_cast %get3A_16 : vector<512xf32> to vector<1x512xf32>
      %broadcast_in_dim3A_17 = vector.shape_cast %broadcast_in_dim3A : vector<1x512xf32> to vector<1x512xf32>
      %broadcast_in_dim3A_18 = vector.broadcast %broadcast_in_dim3A_17 : vector<1x512xf32> to vector<32x512xf32>
      %swap3A = arith.constant 0 : index
      %swap3A_19 = arith.constant 0 : index
      %swap3A_20 = vector.load %arg5[%swap3A, %swap3A_19] : memref<32x512xf32, #tpu.memory_space<vmem>>, vector<32x512xf32>
      tpu.vector_store %arg5[%swap3A, %swap3A_19], %broadcast_in_dim3A_18 {strides = array<i32>} : memref<32x512xf32, #tpu.memory_space<vmem>>, vector<32x512xf32>,
    } else {
    }
    %lt3A = arith.constant 19 : i32
    %lt3A_2 = arith.cmpi slt, %arg0, %lt3A : i32
    %convert_element_type3A_3 = arith.extui %lt3A_2 : i1 to i32
    %cond3A_4 = arith.constant 0 : i32
    %cond3A_5 = arith.cmpi ne, %convert_element_type3A_3, %cond3A_4 : i32
    scf.if %cond3A_5 {
      %get3A = arith.constant 0 : index
      %get3A_16 = arith.constant 0 : index
      %get3A_17 = vector.load %arg5[%get3A, %get3A_16] : memref<32x512xf32, #tpu.memory_space<vmem>>, vector<32x512xf32>
      %get3A_18 = arith.constant 0 : index
      %get3A_19 = arith.constant 0 : index
      %get3A_20 = vector.load %arg1[%get3A_18, %get3A_19] : memref<32x5120xf32, #tpu.memory_space<vmem>>, vector<32x5120xf32>
      %get3A_21 = arith.constant 0 : index
      %get3A_22 = arith.constant 0 : index
      %get3A_23 = vector.load %arg2[%get3A_21, %get3A_22] : memref<512x5120xf32, #tpu.memory_space<vmem>>, vector<512x5120xf32>
      %dot_general3A = arith.constant dense<0.000000e+00> : vector<32x512xf32>
      %dot_general3A_24 = tpu.matmul %get3A_20, %get3A_23, %dot_general3A {dimension_numbers = #tpu.dot_dimension_numbers<[1], [1], [0], [0], [0, 0, 1, 0], [], []>, transpose_lhs_hint = false} : vector<32x5120xf32>, vector<512x5120xf32>, vector<32x512xf32> -> vector<32x512xf32>
      %add3A = arith.addf %get3A_17, %dot_general3A_24 : vector<32x512xf32>
      %swap3A = arith.constant 0 : index
      %swap3A_25 = arith.constant 0 : index
      %swap3A_26 = vector.load %arg5[%swap3A, %swap3A_25] : memref<32x512xf32, #tpu.memory_space<vmem>>, vector<32x512xf32>
      tpu.vector_store %arg5[%swap3A, %swap3A_25], %add3A {strides = array<i32>} : memref<32x512xf32, #tpu.memory_space<vmem>>, vector<32x512xf32>,
    } else {
    }
    %eq3A_6 = arith.constant 19 : i32
    %eq3A_7 = arith.cmpi eq, %arg0, %eq3A_6 : i32
    %convert_element_type3A_8 = arith.extui %eq3A_7 : i1 to i32
    %cond3A_9 = arith.constant 0 : i32
    %cond3A_10 = arith.cmpi ne, %convert_element_type3A_8, %cond3A_9 : i32
    scf.if %cond3A_10 {
      %iota3A = tpu.iota {dimensions = array<i32: 1>} : vector<512x5120xi32>
      %mul3A = arith.constant 5120 : i32
      %mul3A_16 = arith.muli %arg0, %mul3A : i32
      %sub3A = arith.constant 100000 : i32
      %sub3A_17 = arith.subi %sub3A, %mul3A_16 : i32
      %lt3A_18 = vector.broadcast %sub3A_17 : i32 to vector<512x5120xi32>
      %lt3A_19 = arith.cmpi slt, %iota3A, %lt3A_18 : vector<512x5120xi32>
      %get3A = arith.constant 0 : index
      %get3A_20 = arith.constant 0 : index
      %get3A_21 = vector.load %arg2[%get3A, %get3A_20] : memref<512x5120xf32, #tpu.memory_space<vmem>>, vector<512x5120xf32>
      %jit3A = arith.constant 0.000000e+00 : f32
      %broadcast_in_dim3A = vector.broadcast %jit3A : f32 to vector<512x5120xf32>
      %select_n3A = arith.select %lt3A_19, %get3A_21, %broadcast_in_dim3A : vector<512x5120xi1>, vector<512x5120xf32>
      %get3A_22 = arith.constant 0 : index
      %get3A_23 = arith.constant 0 : index
      %get3A_24 = vector.load %arg5[%get3A_22, %get3A_23] : memref<32x512xf32, #tpu.memory_space<vmem>>, vector<32x512xf32>
      %get3A_25 = arith.constant 0 : index
      %get3A_26 = arith.constant 0 : index
      %get3A_27 = vector.load %arg1[%get3A_25, %get3A_26] : memref<32x5120xf32, #tpu.memory_space<vmem>>, vector<32x5120xf32>
      %dot_general3A = arith.constant dense<0.000000e+00> : vector<32x512xf32>
      %dot_general3A_28 = tpu.matmul %get3A_27, %select_n3A, %dot_general3A {dimension_numbers = #tpu.dot_dimension_numbers<[1], [1], [0], [0], [0, 0, 1, 0], [], []>, transpose_lhs_hint = false} : vector<32x5120xf32>, vector<512x5120xf32>, vector<32x512xf32> -> vector<32x512xf32>
      %add3A = arith.addf %get3A_24, %dot_general3A_28 : vector<32x512xf32>
      %swap3A = arith.constant 0 : index
      %swap3A_29 = arith.constant 0 : index
      %swap3A_30 = vector.load %arg5[%swap3A, %swap3A_29] : memref<32x512xf32, #tpu.memory_space<vmem>>, vector<32x512xf32>
      tpu.vector_store %arg5[%swap3A, %swap3A_29], %add3A {strides = array<i32>} : memref<32x512xf32, #tpu.memory_space<vmem>>, vector<32x512xf32>,
    } else {
    }
    %eq3A_11 = arith.constant 19 : i32
    %eq3A_12 = arith.cmpi eq, %arg0, %eq3A_11 : i32
    %convert_element_type3A_13 = arith.extui %eq3A_12 : i1 to i32
    %cond3A_14 = arith.constant 0 : i32
    %cond3A_15 = arith.cmpi ne, %convert_element_type3A_13, %cond3A_14 : i32
    scf.if %cond3A_15 {
      %get3A = arith.constant 0 : index
      %get3A_16 = arith.constant 0 : index
      %get3A_17 = vector.load %arg5[%get3A, %get3A_16] : memref<32x512xf32, #tpu.memory_space<vmem>>, vector<32x512xf32>
      %swap3A = arith.constant 0 : index
      %swap3A_18 = arith.constant 0 : index
      %swap3A_19 = vector.load %arg4[%swap3A, %swap3A_18] : memref<32x512xf32, #tpu.memory_space<vmem>>, vector<32x512xf32>
      tpu.vector_store %arg4[%swap3A, %swap3A_18], %get3A_17 {strides = array<i32>} : memref<32x512xf32, #tpu.memory_space<vmem>>, vector<32x512xf32>,
    } else {
    }
    return
  }
  func.func @transform_0(%arg0: i32) -> (i32, i32) {
    %c0_i32 = arith.constant 0 : i32
    %c0_i32_0 = arith.constant 0 : i32
    return %c0_i32, %arg0 : i32, i32
  }
  func.func @transform_1(%arg0: i32) -> (i32, i32) {
    %c0_i32 = arith.constant 0 : i32
    %c0_i32_0 = arith.constant 0 : i32
    return %c0_i32, %arg0 : i32, i32
  }
  func.func @transform_2(%arg0: i32) -> i32 {
    %c0_i32 = arith.constant 0 : i32
    %c0_i32_0 = arith.constant 0 : i32
    return %c0_i32 : i32
  }
  func.func @transform_3(%arg0: i32) -> (i32, i32) {
    %c0_i32 = arith.constant 0 : i32
    %c0_i32_0 = arith.constant 0 : i32
    %c0_i32_1 = arith.constant 0 : i32
    return %c0_i32, %c0_i32_0 : i32, i32
  }
}

module attributes {stable_mosaic.version = 14 : i64} {
  func.func @_pmax_body(%arg0: i32, %arg1: memref<1x20x100000xf32, #tpu.memory_space<vmem>>, %arg2: memref<1x8x102400xf32, #tpu.memory_space<vmem>>) attributes {dimension_semantics = [#tpu.dimension_semantics<arbitrary>], iteration_bounds = array<i64: 32>, scalar_prefetch = 0 : i64, scratch_operands = 0 : i64, tpu.core_type = #tpu.core_type<tc>, window_params = [{transform_indices = @transform_0, window_bounds = array<i64: 1, 20, 100000>}, {transform_indices = @transform_1, window_bounds = array<i64: 1, 8, 102400>}]} {
    %jit3A = arith.constant 8 : i32
    %eq3A = arith.constant 0 : i32
    %eq3A_0 = arith.cmpi eq, %jit3A, %eq3A : i32
    %jit3A_1 = arith.constant 1 : i32
    %select_n3A = arith.select %eq3A_0, %jit3A_1, %jit3A : i32
    %rem3A = arith.remsi %arg0, %select_n3A : i32
    %ne3A = arith.constant 0 : i32
    %ne3A_2 = arith.cmpi ne, %rem3A, %ne3A : i32
    %lt3A = arith.constant 0 : i32
    %lt3A_3 = arith.cmpi slt, %rem3A, %lt3A : i32
    %lt3A_4 = arith.constant 0 : i32
    %lt3A_5 = arith.cmpi slt, %select_n3A, %lt3A_4 : i32
    %ne3A_6 = arith.xori %lt3A_3, %lt3A_5 : i1
    %and3A = arith.andi %ne3A_6, %ne3A_2 : i1
    %add3A = arith.addi %rem3A, %select_n3A : i32
    %select_n3A_7 = arith.select %and3A, %add3A, %rem3A : i32
    %get3A = arith.constant 0 : index
    %get3A_8 = arith.constant 0 : index
    %get3A_9 = arith.constant 0 : index
    %get3A_10 = vector.load %arg1[%get3A, %get3A_8, %get3A_9] : memref<1x20x100000xf32, #tpu.memory_space<vmem>>, vector<1x20x100000xf32>
    %get3A_11 = vector.shape_cast %get3A_10 : vector<1x20x100000xf32> to vector<20x100000xf32>
    %reduce_min3A = arith.constant dense<0x7F800000> : vector<20xf32>
    %reduce_min3A_12 = vector.multi_reduction <minimumf>, %get3A_11, %reduce_min3A [1] : vector<20x100000xf32> to vector<20xf32>
    %broadcast_in_dim3A = vector.shape_cast %reduce_min3A_12 : vector<20xf32> to vector<20x1xf32>
    %reduce_max3A = arith.constant dense<0xFF800000> : vector<20xf32>
    %reduce_max3A_13 = vector.multi_reduction <maximumf>, %get3A_11, %reduce_max3A [1] : vector<20x100000xf32> to vector<20xf32>
    %broadcast_in_dim3A_14 = vector.shape_cast %reduce_max3A_13 : vector<20xf32> to vector<20x1xf32>
    %sub3A = vector.broadcast %broadcast_in_dim3A : vector<20x1xf32> to vector<20x100000xf32>
    %sub3A_15 = arith.subf %get3A_11, %sub3A : vector<20x100000xf32>
    %sub3A_16 = arith.subf %broadcast_in_dim3A_14, %broadcast_in_dim3A : vector<20x1xf32>
    %div3A = vector.broadcast %sub3A_16 : vector<20x1xf32> to vector<20x100000xf32>
    %div3A_17 = arith.divf %sub3A_15, %div3A : vector<20x100000xf32>
    %reduce_max3A_18 = arith.constant dense<0xFF800000> : vector<100000xf32>
    %reduce_max3A_19 = vector.multi_reduction <maximumf>, %div3A_17, %reduce_max3A_18 [0] : vector<20x100000xf32> to vector<100000xf32>
    %swap3A = arith.constant 0 : index
    %swap3A_20 = arith.index_cast %select_n3A_7 : i32 to index
    %swap3A_21 = arith.constant 0 : index
    %swap3A_22 = vector.load %arg2[%swap3A, %swap3A_20, %swap3A_21] : memref<1x8x102400xf32, #tpu.memory_space<vmem>>, vector<1x1x100000xf32>
    %swap3A_23 = vector.shape_cast %swap3A_22 : vector<1x1x100000xf32> to vector<100000xf32>
    %swap3A_24 = vector.shape_cast %reduce_max3A_19 : vector<100000xf32> to vector<1x1x100000xf32>
    tpu.vector_store %arg2[%swap3A, %swap3A_20, %swap3A_21], %swap3A_24 {strides = array<i32>} : memref<1x8x102400xf32, #tpu.memory_space<vmem>>, vector<1x1x100000xf32>,
    %broadcast_in_dim3A_25 = arith.constant 0xFF800000 : f32
    %broadcast_in_dim3A_26 = vector.broadcast %broadcast_in_dim3A_25 : f32 to vector<2400xf32>
    %swap3A_27 = arith.constant 0 : index
    %swap3A_28 = arith.index_cast %select_n3A_7 : i32 to index
    %swap3A_29 = arith.constant 100000 : index
    %swap3A_30 = vector.load %arg2[%swap3A_27, %swap3A_28, %swap3A_29] : memref<1x8x102400xf32, #tpu.memory_space<vmem>>, vector<1x1x2400xf32>
    %swap3A_31 = vector.shape_cast %swap3A_30 : vector<1x1x2400xf32> to vector<2400xf32>
    %swap3A_32 = vector.shape_cast %broadcast_in_dim3A_26 : vector<2400xf32> to vector<1x1x2400xf32>
    tpu.vector_store %arg2[%swap3A_27, %swap3A_28, %swap3A_29], %swap3A_32 {strides = array<i32>} : memref<1x8x102400xf32, #tpu.memory_space<vmem>>, vector<1x1x2400xf32>,
    return
  }
  func.func @transform_0(%arg0: i32) -> (i32, i32, i32) {
    %c0_i32 = arith.constant 0 : i32
    %c0_i32_0 = arith.constant 0 : i32
    %c0_i32_1 = arith.constant 0 : i32
    return %arg0, %c0_i32, %c0_i32_0 : i32, i32, i32
  }
  func.func @transform_1(%arg0: i32) -> (i32, i32, i32) {
    %jit3A = arith.constant 8 : i32
    %div3A = arith.divsi %arg0, %jit3A : i32
    %sign3A = arith.constant 0 : i32
    %sign3A_0 = arith.cmpi sgt, %arg0, %sign3A : i32
    %sign3A_1 = arith.extui %sign3A_0 : i1 to i32
    %sign3A_2 = arith.constant 0 : i32
    %sign3A_3 = arith.cmpi slt, %arg0, %sign3A_2 : i32
    %sign3A_4 = arith.extui %sign3A_3 : i1 to i32
    %sign3A_5 = arith.subi %sign3A_1, %sign3A_4 : i32
    %sign3A_6 = arith.constant 0 : i32
    %sign3A_7 = arith.cmpi sgt, %jit3A, %sign3A_6 : i32
    %sign3A_8 = arith.extui %sign3A_7 : i1 to i32
    %sign3A_9 = arith.constant 0 : i32
    %sign3A_10 = arith.cmpi slt, %jit3A, %sign3A_9 : i32
    %sign3A_11 = arith.extui %sign3A_10 : i1 to i32
    %sign3A_12 = arith.subi %sign3A_8, %sign3A_11 : i32
    %ne3A = arith.cmpi ne, %sign3A_5, %sign3A_12 : i32
    %rem3A = arith.remsi %arg0, %jit3A : i32
    %ne3A_13 = arith.constant 0 : i32
    %ne3A_14 = arith.cmpi ne, %rem3A, %ne3A_13 : i32
    %and3A = arith.andi %ne3A, %ne3A_14 : i1
    %sub3A = arith.constant 1 : i32
    %sub3A_15 = arith.subi %div3A, %sub3A : i32
    %select_n3A = arith.select %and3A, %sub3A_15, %div3A : i32
    %c0_i32 = arith.constant 0 : i32
    %c0_i32_16 = arith.constant 0 : i32
    %c0_i32_17 = arith.constant 0 : i32
    return %select_n3A, %c0_i32, %c0_i32_16 : i32, i32, i32
  }
}

</mosaic_0001>

<sc_bundles>
// kernel: kernel.5.cloned.1.call-start
scs
__scs_entry_jumppad:
0x0: {  	(pc) =	sbr.rel $0x88, $3  }
0x1: {  	(tag) =	ssettag $0x0;
	lr =	simm.s32 $0x1  }
0x2: {  	[smem:$0x3F9E] =	sst lr;
	_ =	strace $0xD0000000  }
0x3: {  	_ = 	snop  }
0x4: {  	_ = 	snop  }
0x5: {  	_ = 	snop  }
0x6: {  	_ = 	snop  }
0x7: {  	_ = 	snop  }
__scs_overlays_trampoline_lowered:
0x8: {  	[smem:$0x3FAD] =	sst s0  }
0x9: {  	[smem:$0x3FAE] =	sst s1  }
0xa: {  	[smem:$0x3FAF] =	sst s2  }
0xb: {  	[smem:$0x3FB0] =	sst s3  }
0xc: {  	[smem:$0x3FB1] =	sst s4  }
0xd: {  	[smem:$0x3FB2] =	sst s5  }
0xe: {  	[smem:$0x3FB3] =	sst s6  }
0xf: {  	[smem:$0x3FB4] =	sst s7  }
0x10: {  	[smem:$0x3FB5] =	sst s8  }
0x11: {  	[smem:$0x3FB6] =	sst s9;
	s0 =	simm.s32 @!p0 $0x0  }
0x12: {  	s1 =	sld [smem:$0x3F9C];
	s0 =	simm.s32 @p0 $0x1  }
0x13: {  	[smem:$0x3FB7] =	sst s0;
	s0 =	simm.s32 @!p1 $0x0  }
0x14: {  	s2 =	sld [smem:$0x3F9B];
	s0 =	simm.s32 @p1 $0x1  }
0x15: {  	[smem:$0x3FB8] =	sst s0;
	s0 =	simm.s32 @!p2 $0x0  }
0x16: {  	s3 =	sld [smem:$0x3FDB];
	s0 =	simm.s32 @p2 $0x1  }
0x17: {  	s4 =	simm.s32 $0x1BF5;
	[smem:$0x3FBA] =	sst s0  }
0x18: {  	s0 =	sld [smem:$0x3F9D];
	_ =	swait.ge [sflag:s4], $0x0  }
0x19: {  	s7 =	sld [smem:$0x3F9E]  }
0x1a: {  	s8 =	sadd.s32 $0xFFFFE003, lr  }
0x1b: {  	s9 =	sadd.s32 $0xFFFFFEF7, lr;
	s5 =	simm.s32 $0xFFFFFFFF;
	p2 =	slt.u32 s8, $0xFFFFF086  }
0x1c: {  	p1 =	slt.u32 s9, $0xF7A;
	s5 =	simm.s32 @!p2 $0x0  }
0x1d: {  	s5 =	simm.s32 @p1 $0x1;
	p0 =	seq.s32 s7, s2  }
0x1e: {  	s7 =	smul.u32 @!p0 $0xF7A, s2;
	p2 =	seq.s32 @!p0 s5, $0x0  }
0x1f: {  	s9 =	smul.u32 $0xF7A, s1;
	s8 =	simm.s32 @!p0 $0x1BF5;
	p2 =	por !p2, p0  }
0x20: {  	[sflag:s8] =	ssyncset.s32 @!p0 $0xFFFFF086;
	s6 =	sadd.s32 @!p0 s3, s7;
	s7 =	simm.s32 @!p0 $0x108  }
0x21: {  	s3 =	sadd.s32 s3, s9;
	s6 =	sadd.s32 @!p0 $0x88, s6;
	s7 =	simm.s32 @p2 $0x1082  }
0x22: {  	[simem:s7], [sflag:s8] =	dma.local @!p0 [hbm:s6], $0xF7A  }
0x23: {  	s9 =	sor.u32 $0xD0000000, s2;
	s6 =	simm.s32 $0x108;
	_ =	swait.ge @!p0 [sflag:s8], $0x0  }
0x24: {  	s3 =	sadd.s32 $0x88, s3;
	s6 =	simm.s32 @!p1 $0x1082;
	[sflag:s4] =	ssyncset.s32 $0xFFFFF086  }
0x25: {  	[simem:s6], [sflag:s4] =	dma.local [hbm:s3], $0xF7A  }
0x26: {  	[smem:$0x3F9E] =	sst s1;
	(tag) =	ssettag s2;
	_ =	strace s9  }
0x27: {  	s1 =	sld [smem:$0x3FAE]  }
0x28: {  	s2 =	sld [smem:$0x3FAF]  }
0x29: {  	s4 =	sld [smem:$0x3FB1]  }
0x2a: {  	p0 =	seq.s32 s5, $0x0;
	s5 =	sld [smem:$0x3FB2]  }
0x2b: {  	s6 =	sld [smem:$0x3FB3]  }
0x2c: {  	s7 =	sld [smem:$0x3FB4]  }
0x2d: {  	s3 =	simm.s32 $0x108;
	s8 =	sld [smem:$0x3FB5]  }
0x2e: {  	s3 =	simm.s32 @!p0 $0x1082;
	s9 =	sld [smem:$0x3FB6]  }
0x2f: {  	lr =	sadd.s32 s0, s3;
	s0 =	sld [smem:$0x3FAD]  }
0x30: {  	s3 =	sld [smem:$0x3FB0]  }
0x31: {  	[smem:$0x3FB9] =	sst s10  }
0x32: {  	s10 =	sld [smem:$0x3FB7];
	_ =	sdelay $0x3  }
0x33: {  	p0 =	seq.s32 s10, $0x1;
	s10 =	sld [smem:$0x3FB9];
	_ =	sdelay $0x3  }
0x34: {  	[smem:$0x3FB9] =	sst s10  }
0x35: {  	s10 =	sld [smem:$0x3FB8];
	_ =	sdelay $0x3  }
0x36: {  	p1 =	seq.s32 s10, $0x1;
	s10 =	sld [smem:$0x3FB9];
	_ =	sdelay $0x3  }
0x37: {  	[smem:$0x3FB9] =	sst s10  }
0x38: {  	s10 =	sld [smem:$0x3FBA]  }
0x39: {  	_ = 	snop;
	(pc) =	sbr.ind lr, $3  }
0x3a: {  	_ = 	snop  }
0x3b: {  	_ = 	snop  }
0x3c: {  	p2 =	seq.s32 s10, $0x1;
	s10 =	sld [smem:$0x3FB9]  }
0x3d: {  	_ =	shalt  }
0x3e: {  	_ =	shalt  }
0x3f: {  	_ =	shalt  }
0x40: {  	_ =	shalt  }
0x41: {  	_ =	shalt  }
0x42: {  	_ =	shalt  }
0x43: {  	_ =	shalt  }
0x44: {  	_ =	shalt  }
0x45: {  	_ =	shalt  }
0x46: {  	_ =	shalt  }
0x47: {  	_ =	shalt  }
0x48: {  	_ =	shalt  }
0x49: {  	_ =	shalt  }
0x4a: {  	_ =	shalt  }
0x4b: {  	_ =	shalt  }
0x4c: {  	_ =	shalt  }
0x4d: {  	_ =	shalt  }
0x4e: {  	_ =	shalt  }
0x4f: {  	_ =	shalt  }
0x50: {  	_ =	shalt  }
0x51: {  	_ =	shalt  }
0x52: {  	_ =	shalt  }
0x53: {  	_ =	shalt  }
0x54: {  	_ =	shalt  }
0x55: {  	_ =	shalt  }
0x56: {  	_ =	shalt  }
0x57: {  	_ =	shalt  }
0x58: {  	_ =	shalt  }
0x59: {  	_ =	shalt  }
0x5a: {  	_ =	shalt  }
0x5b: {  	_ =	shalt  }
0x5c: {  	_ =	shalt  }
0x5d: {  	_ =	shalt  }
0x5e: {  	_ =	shalt  }
0x5f: {  	_ =	shalt  }
0x60: {  	_ =	shalt  }
0x61: {  	_ =	shalt  }
0x62: {  	_ =	shalt  }
0x63: {  	_ =	shalt  }
0x64: {  	_ =	shalt  }
0x65: {  	_ =	shalt  }
0x66: {  	_ =	shalt  }
0x67: {  	_ =	shalt  }
0x68: {  	_ =	shalt  }
0x69: {  	_ =	shalt  }
0x6a: {  	_ =	shalt  }
0x6b: {  	_ =	shalt  }
0x6c: {  	_ =	shalt  }
0x6d: {  	_ =	shalt  }
0x6e: {  	_ =	shalt  }
0x6f: {  	_ =	shalt  }
0x70: {  	_ =	shalt  }
0x71: {  	_ =	shalt  }
0x72: {  	_ =	shalt  }
0x73: {  	_ =	shalt  }
0x74: {  	_ =	shalt  }
0x75: {  	_ =	shalt  }
0x76: {  	_ =	shalt  }
0x77: {  	_ =	shalt  }
0x78: {  	_ =	shalt  }
0x79: {  	_ =	shalt  }
0x7a: {  	_ =	shalt  }
0x7b: {  	_ =	shalt  }
0x7c: {  	_ =	shalt  }
0x7d: {  	_ =	shalt  }
0x7e: {  	_ =	shalt  }
0x7f: {  	_ =	shalt  }
0x80: {  	_ =	shalt  }
0x81: {  	_ =	shalt  }
0x82: {  	_ =	shalt  }
0x83: {  	_ =	shalt  }
0x84: {  	_ =	shalt  }
0x85: {  	_ =	shalt  }
0x86: {  	_ =	shalt  }
0x87: {  	_ =	shalt  }
.Lfunc_end0:
.L_simem_size_0:
called_computation_lowered:
.L_overlay_start_0:
0x88: {  	s2 =	sld [smem:$0x3FD9]  }
0x89: {  	s3 =	sld [smem:$0x3FFE];
	_ =	sdelay $0x1  }
0x8a: {  	s1 =	srdreg.scid  }
0x8b: {  	s0 =	sand.u32 $0x1, s1  }
0x8c: {  	s16 =	sshll.u32 s0, $0xA;
	s2 =	sadd.s32 s3, s2  }
0x8d: {  	s2 =	sadd.s32 s2, s16  }
0x8e: {  	[smem:$0x3FC5] =	sst s2  }
0x8f: {  	_ = 	snop  }
0x90: {  	(tm) =	ssettm $0x1  }
0x91: {  	s17 =	sld [smem:$0x3FFB];
	_ =	sdelay $0x3  }
0x92: {  	_ =	strace s17  }
0x93: {  	s2 =	sld [smem:$0x3FFC];
	_ =	sdelay $0x3  }
0x94: {  	_ =	strace s2  }
0x95: {  	s2 =	sld [smem:$0x3FFD];
	_ =	sdelay $0x3  }
0x96: {  	_ =	strace s2  }
0x97: {  	_ =	strace $0x8FFFFFFF  }
0x98: {  	s18 =	sld [smem:$0x3FDB];
	_ =	sdelay $0x1  }
0x99: {  	s19 =	simm.s32 $_scs_section_size  }
0x9a: {  	s4 =	simm.s32 $_size__tile_overlayer_lowered;
	s5 =	simm.s32 $_tile_overlayer_lowered  }
0x9b: {  	s22 =	simm.s32 $0x1BFF;
	s21 =	sshll.u32 s5, $0x1;
	s2 =	sadd.s32 s19, s18  }
0x9c: {  	s6 =	simm.s32 $0x0;
	s20 =	sshll.u32 s4, $0x1;
	s4 =	sadd.s32 s21, s2  }
0x9d: {  	[timem:s6], [sflag:s22] =	dma.local [hbm:s4], s20  }
0x9e: {  	_ =	swait.ge [sflag:s22], s20  }
0x9f: {  	s3 =	ssub.s32 $0x0, s20;
	[sflag:s22] =	ssyncset.done $0x0  }
0xa0: {  	[sflag:s22] =	ssyncadd.s32 s3;
	_ =	sdelay $0x1  }
0xa1: {  	s23 =	simm.s32 $0x1B8B  }
0xa2: {  	_ =	swait.ge [sflag:s23], $0x1  }
0xa3: {  	[sflag:s23] =	ssyncset.done $0x0  }
0xa4: {  	s25 =	simm.s32 $0x1B8E;
	s24 =	sld [smem:$0x3FFE];
	[sflag:s23] =	ssyncadd.s32 $0xFFFFFFFF  }
0xa5: {  	s26 =	simm.s32 $execute0_lowered;
	[smem:$0x3FD2] =	sst s25  }
0xa6: {  	s4 =	sshll.u32 s26, $0x1;
	_ =	strace $0x80000046;
	[dreg:$0x1] =	wrdreg $0xFFFFFFFF  }
0xa7: {  	s28 =	simm.s32 $_size_execute0_lowered;
	s2 =	sadd.s32 s2, s4;
	[dreg:$0x0] =	wrdreg $0x0  }
0xa8: {  	s4 =	sshll.u32 s28, $0x1;
	[dreg:$0x2] =	wrdreg s2  }
0xa9: {  	[dreg:$0x3] =	wrdreg s4  }
0xaa: {  	[dreg:$0x4] =	wrdreg $0xC0  }
0xab: {  	_ =	task [dreg:s6], $0x5FFFF  }
0xac: {  	[dreg:$0x1] =	wrdreg $0xFFFFFFFF  }
0xad: {  	[dreg:$0x0] =	wrdreg $0x60  }
0xae: {  	[dreg:$0x2] =	wrdreg s24  }
0xaf: {  	[dreg:$0x3] =	wrdreg $0x9  }
0xb0: {  	_ =	task.clear_ibuf [dreg:s6], $0x4FFFF;
	_ =	strace $0x90000046  }
0xb1: {  	s29 =	simm.s32 $0x9;
	_ =	strace $0x80000048  }
0xb2: {  	_ =	swait.ge [sflag:s29], $0x1  }
0xb3: {  	[sflag:s29] =	ssyncadd.s32 $0xFFFFFFFF  }
0xb4: {  	_ =	strace $0x90000048  }
0xb5: {  	_ =	sfence  }
0xb6: {  	s30 =	sld [smem:$0x0];
	_ =	sdelay $0x2  }
0xb7: {  	s31 =	sshll.u32 s1, $0xD;
	s1 =	sshrl.u32 s1, $0x2  }
0xb8: {  	s3 =	sand.u32 $0x4000, s31;
	s1 =	sadd.s32 s1, s30  }
0xb9: {  	s0 =	sor.u32 s3, s0;
	s1 =	sshll.u32 s1, $0x11  }
0xba: {  	s0 =	sor.u32 s1, s0  }
0xbb: {  	s0 =	sadd.s32 $0x8F2B, s0  }
0xbc: {  	[sflag:s0] =	ssyncadd.remote.s32 $0x1  }
0xbd: {  	_ =	sfence.sel $0xFFFF  }
0xbe: {  	[dreg:$0x0] =	wrdreg $0xFFFFFFFF;
	(pc) =	sbr.abs _section_cstart, $3  }
0xbf: {  	[dreg:$0x1] =	wrdreg $0xFFFFFFFF  }
0xc0: {  	_ =	task.clear_ibuf [dreg:s6], $0x2FFFF;
	_ =	strace $0x9FFFFFFF  }
0xc1: {  	(tm) =	ssettm $0x7FFFFFFF  }
tec
execute0_lowered:
.L_overlay_start_1:
0x0: {  	(tag) =	ssettag $0x1  }
0x1: {  	v0 =	vimm.s32 $0x186DF;
	vm0 =	vcmask $0xB08  }
0x2: {  	v0 =	vsel vm0, $0x186D2, v0;
	vm0 =	vcmask $0xF0C  }
0x3: {  	v0 =	vsel vm0, $0x186D3, v0;
	vm0 =	vcmask $0x1310  }
0x4: {  	v0 =	vsel vm0, $0x186D4, v0;
	vm0 =	vcmask $0x1714  }
0x5: {  	s3 =	rddreg [dreg:$0x0];
	s1 =	srdreg.scid;
	v0 =	vsel vm0, $0x186D5, v0;
	vm0 =	vcmask $0x1B18  }
0x6: {  	s0 =	stileid.u32;
	s7 =	simm.s32 $0x400;
	s8 =	simm.s32 $0x1;
	v1 =	vsel vm0, $0x186D6, v0;
	vm0 =	vcmask $0x1F1C  }
0x7: {  	vm1 =	vcmask $0x700;
	s4 =	sand.u32 $0x1, s1;
	s30 =	sshrl.u32 s0, $0x2;
	s2 =	sshll.u32 s0, $0x8;
	v2 =	vsel vm0, $0x186D7, v1;
	vm0 =	vcmask $0x2320  }
0x8: {  	s5 =	smul.u32 $0xC8000, s30;
	s6 =	sshll.u32 s4, $0x7;
	s2 =	sand.u32 $0x300, s2;
	v0 =	vlaneseq.u32;
	v3 =	vsel vm0, $0x186D8, v2;
	vm0 =	vcmask $0x2724  }
0x9: {  	s9 =	simm.s32 $0x19000;
	s10 =	simm.s32 $0x19100;
	s6 =	sor.u32 s6, s2;
	v1 =	vor.u32 $0xE0, v0;
	v4 =	vsel vm0, $0x186D9, v3;
	vm0 =	vcmask $0x2B28  }
0xa: {  	s11 =	simm.s32 $0x0;
	s1 =	rddreg [dreg:$0x1];
	s5 =	sor.u32 s5, s6;
	v2 =	vor.u32 $0xF0, v0;
	v5 =	vsel vm0, $0x186DA, v4;
	vm0 =	vcmask $0x2F2C  }
0xb: {  	s4 =	ssub.s32 $0x2, s4;
	s2 =	simm.s32 $0x0;
	s5 =	sshrl.u32 s5, $0x3;
	v3 =	vimm.f32 $-Inf;
	v6 =	vsel vm0, $0x186DB, v5;
	vm0 =	vcmask $0x3330  }
0xc: {  	s31 =	sshrl.u32 s4, $0x1;
	[smem:$0x7FF] =	sst s2;
	s5 =	sadd.s32 s5, s3;
	v4 =	vimm.f32 $0.0e+00;
	v6 =	vsel vm0, $0x186DC, v6;
	vm0 =	vcmask $0x3734  }
0xd: {  	s6 =	ssub.s32 s4, s31;
	_ =	strace $0x80000047;
	s3 =	sadd.s32 $0xA00, s5;
	v5 =	vimm.f32 $1.000000000e+00;
	v6 =	vsel vm0, $0x186DD, v6;
	vm0 =	vcmask $0x3B38  }
0xe: {  	s4 =	sadd.s32 $0x64A00, s5;
	s5 =	smax.u32 s6, $0x1;
	s6 =	simm.s32 $0x80;
	v7 =	vsel vm1, $0x3F800000, v4;
	v6 =	vsel vm0, $0x186DE, v6;
	vm0 =	vmmov $0x3  }
.LBB2_1:
0xf: {  	[tilespmem:s2], [sflag:$0x1] =	stream.strided.gather [hbm4b:s3+s6], $0x19000, s7, s6, $0x38;
	[tilespmem:$0x19180] =	vst v63  }
0x10: {  	_ =	swait.ge [sflag:s8], $0x19000  }
0x11: {  	[sflag:s8] =	ssyncset.done $0x0  }
0x12: {  	s12 =	simm.s32 $0xC0;
	[sflag:s8] =	ssyncadd.s32 $0xFFFE7000  }
0x13: {  	v8 =	vld [tilespmem:s12+$0xFFFFFF50]  }
0x14: {  	v9 =	vld [tilespmem:s12+$0xFFFFFF40]  }
0x15: {  	v10 =	vld [tilespmem:s12+$0xFFFFFF60]  }
0x16: {  	v11 =	vld [tilespmem:s12+$0xFFFFFF70]  }
0x17: {  	v12 =	vld [tilespmem:s12+$0xFFFFFF80]  }
0x18: {  	v13 =	vld [tilespmem:s12+$0xFFFFFF90]  }
0x19: {  	v8 =	vmax.f32 v9, v8;
	v9 =	vld [tilespmem:s12+$0xFFFFFFA0]  }
0x1a: {  	v8 =	vmax.f32 v8, v10;
	v10 =	vld [tilespmem:s12+$0xFFFFFFB0]  }
0x1b: {  	v8 =	vmax.f32 v8, v11;
	v11 =	vld [tilespmem:s12+$0xFFFFFFC0]  }
0x1c: {  	v57 =	vld [tilespmem:s12+$0xFFFFFFD0];
	v8 =	vmax.f32 v8, v12  }
0x1d: {  	v58 =	vld [tilespmem:s12+$0xFFFFFFE0];
	v8 =	vmax.f32 v8, v13  }
0x1e: {  	v8 =	vmax.f32 v8, v9;
	v9 =	vld [tilespmem:s12+$0xFFFFFFF0]  }
0x1f: {  	v8 =	vmax.f32 v8, v10;
	v10 =	vld [tilespmem:s12+$0x0]  }
0x20: {  	v8 =	vmax.f32 v8, v11;
	v11 =	vld [tilespmem:s12+$0x10]  }
0x21: {  	v59 =	vld [tilespmem:s12+$0x20];
	v8 =	vmax.f32 v8, v57  }
0x22: {  	v60 =	vld [tilespmem:s12+$0x30];
	v8 =	vmax.f32 v8, v58  }
0x23: {  	v8 =	vmax.f32 v8, v9;
	v9 =	vld [tilespmem:s12+$0x40]  }
0x24: {  	v8 =	vmax.f32 v8, v10;
	v10 =	vld [tilespmem:s12+$0x50]  }
0x25: {  	v8 =	vmax.f32 v8, v11;
	v11 =	vld [tilespmem:s12+$0x60]  }
0x26: {  	v61 =	vld [tilespmem:s12+$0x70];
	v8 =	vmax.f32 v8, v59  }
0x27: {  	v62 =	vld [tilespmem:s12+$0x80];
	v8 =	vmax.f32 v8, v60  }
0x28: {  	v8 =	vmax.f32 v8, v9;
	v9 =	vld [tilespmem:s12+$0x90]  }
0x29: {  	v8 =	vmax.f32 v8, v10;
	v10 =	vld [tilespmem:s12+$0xA0]  }
0x2a: {  	s31 =	sand.u32 $0x1FFF0, s2;
	v8 =	vmax.f32 v8, v11;
	v11 =	vld [tilespmem:s12+$0xB0]  }
0x2b: {  	v63 =	vld [tilespmem:s31+$0x180];
	v8 =	vmax.f32 v8, v61  }
0x2c: {  	v8 =	vmax.f32 v8, v62  }
0x2d: {  	v8 =	vmax.f32 v8, v9  }
0x2e: {  	v8 =	vmax.f32 v8, v10  }
0x2f: {  	v8 =	vmax.f32 v8, v11  }
0x30: {  	v8 =	vmax.f32 v8, v63  }
0x31: {  	(xrf0) =	vmax.scan.msk.f32 $0xffff, v8;
	_ =	sdelay $0x3  }
0x32: {  	v8 =	vmov s2;
	_ =	sdelay $0x1  }
0x33: {  	v9, _, _ =	vpop (xrf0)  }
0x34: {  	v9 =	vbroadcast v9, $0xF;
	_ =	sdelay $0x1  }
0x35: {  	s13 =	simm.s32 $0x250;
	[tilespmem:v8+s9+$0x0] =	vst.idx.msk $0x1, v9  }
0x36: {  	v8 =	vld [tilespmem:s13+$0xFFFFFF50]  }
0x37: {  	s15 =	simm.s32 $0x2;
	s14 =	simm.s32 $0x0;
	s12 =	simm.s32 $0x1;
	v9 =	vld [tilespmem:s13+$0xFFFFFF40]  }
.LBB2_2:
0x38: {  	p0 =	sne.s32 s15, $0xFF;
	v10 =	vld [tilespmem:s13+$0xFFFFFF60]  }
0x39: {  	v11 =	vld [tilespmem:s13+$0xFFFFFF70]  }
0x3a: {  	v12 =	vld [tilespmem:s13+$0xFFFFFF80]  }
0x3b: {  	v13 =	vld [tilespmem:s13+$0xFFFFFF90]  }
0x3c: {  	v8 =	vmax.f32 v9, v8;
	v9 =	vld [tilespmem:s13+$0xFFFFFFA0]  }
0x3d: {  	v8 =	vmax.f32 v8, v10;
	v10 =	vld [tilespmem:s13+$0xFFFFFFB0]  }
0x3e: {  	v8 =	vmax.f32 v8, v11;
	v11 =	vld [tilespmem:s13+$0xFFFFFFC0]  }
0x3f: {  	v8 =	vmax.f32 v8, v12;
	v12 =	vld [tilespmem:s13+$0xFFFFFFD0]  }
0x40: {  	v8 =	vmax.f32 v8, v13;
	v13 =	vld [tilespmem:s13+$0xFFFFFFE0]  }
0x41: {  	v8 =	vmax.f32 v8, v9;
	v9 =	vld [tilespmem:s13+$0xFFFFFFF0]  }
0x42: {  	v8 =	vmax.f32 v8, v10;
	v10 =	vld [tilespmem:s13+$0x0]  }
0x43: {  	v8 =	vmax.f32 v8, v11;
	v11 =	vld [tilespmem:s13+$0x10]  }
0x44: {  	v8 =	vmax.f32 v8, v12;
	v12 =	vld [tilespmem:s13+$0x20]  }
0x45: {  	v8 =	vmax.f32 v8, v13;
	v13 =	vld [tilespmem:s13+$0x30]  }
0x46: {  	v8 =	vmax.f32 v8, v9;
	v9 =	vld [tilespmem:s13+$0x40]  }
0x47: {  	v8 =	vmax.f32 v8, v10;
	v10 =	vld [tilespmem:s13+$0x50]  }
0x48: {  	v8 =	vmax.f32 v8, v11;
	v11 =	vld [tilespmem:s13+$0x60]  }
0x49: {  	v8 =	vmax.f32 v8, v12;
	v12 =	vld [tilespmem:s13+$0x70]  }
0x4a: {  	v8 =	vmax.f32 v8, v13;
	v13 =	vld [tilespmem:s13+$0x80]  }
0x4b: {  	v8 =	vmax.f32 v8, v9;
	v9 =	vld [tilespmem:s13+$0x90]  }
0x4c: {  	s14 =	sadd.s32 $0x190, s14;
	v8 =	vmax.f32 v8, v10;
	v10 =	vld [tilespmem:s13+$0xA0]  }
0x4d: {  	s16 =	sand.u32 $0x1FFF0, s14;
	v8 =	vmax.f32 v8, v11;
	v11 =	vld [tilespmem:s13+$0xB0]  }
0x4e: {  	v8 =	vmax.f32 v8, v12;
	v12 =	vld [tilespmem:s16+$0x180]  }
0x4f: {  	v8 =	vmax.f32 v8, v13  }
0x50: {  	v8 =	vmax.f32 v8, v9  }
0x51: {  	v8 =	vmax.f32 v8, v10  }
0x52: {  	v8 =	vmax.f32 v8, v11  }
0x53: {  	v8 =	vmax.f32 v8, v12  }
0x54: {  	(xrf0) =	vmax.scan.msk.f32 $0xffff, v8;
	_ =	sdelay $0x3  }
0x55: {  	v8 =	vmov s12;
	s12 =	smov.u32 s15;
	_ =	sdelay $0x1  }
0x56: {  	v9, _, _ =	vpop (xrf0)  }
.Ltmp0:
0x57: {  	v9 =	vbroadcast v9, $0xF;
	(pc) =	sbr.rel @p0 .LBB2_2-.Ltmp0, $4  }
0x58: {  	_ = 	snop  }
0x59: {  	s13 =	sadd.s32 $0x190, s13;
	[tilespmem:v8+s9+$0x0] =	vst.idx.msk $0x1, v9  }
0x5a: {  	v8 =	vld [tilespmem:s13+$0xFFFFFF50]  }
0x5b: {  	s15 =	sadd.s32 $0x1, s15;
	v9 =	vld [tilespmem:s13+$0xFFFFFF40]  }
0x5c: {  	v10 =	vld [tilespmem:s13+$0xFFFFFF60]  }
0x5d: {  	v11 =	vld [tilespmem:s13+$0xFFFFFF70]  }
0x5e: {  	v12 =	vld [tilespmem:s13+$0xFFFFFF80]  }
0x5f: {  	v13 =	vld [tilespmem:s13+$0xFFFFFF90]  }
0x60: {  	v44 =	vld [tilespmem:s13+$0xFFFFFFA0];
	v8 =	vmax.f32 v9, v8  }
0x61: {  	v45 =	vld [tilespmem:s13+$0xFFFFFFB0];
	v8 =	vmax.f32 v8, v10  }
0x62: {  	v46 =	vld [tilespmem:s13+$0xFFFFFFC0];
	v8 =	vmax.f32 v8, v11  }
0x63: {  	v47 =	vld [tilespmem:s13+$0xFFFFFFD0];
	v8 =	vmax.f32 v8, v12  }
0x64: {  	v48 =	vld [tilespmem:s13+$0xFFFFFFE0];
	v8 =	vmax.f32 v8, v13  }
0x65: {  	v49 =	vld [tilespmem:s13+$0xFFFFFFF0];
	v8 =	vmax.f32 v8, v44  }
0x66: {  	v50 =	vld [tilespmem:s13+$0x0];
	v8 =	vmax.f32 v8, v45  }
0x67: {  	v51 =	vld [tilespmem:s13+$0x10];
	v8 =	vmax.f32 v8, v46  }
0x68: {  	v52 =	vld [tilespmem:s13+$0x20];
	v8 =	vmax.f32 v8, v47  }
0x69: {  	v53 =	vld [tilespmem:s13+$0x30];
	v8 =	vmax.f32 v8, v48  }
0x6a: {  	v54 =	vld [tilespmem:s13+$0x40];
	v8 =	vmax.f32 v8, v49  }
0x6b: {  	v55 =	vld [tilespmem:s13+$0x50];
	v8 =	vmax.f32 v8, v50  }
0x6c: {  	v56 =	vld [tilespmem:s13+$0x60];
	v8 =	vmax.f32 v8, v51  }
0x6d: {  	v57 =	vld [tilespmem:s13+$0x70];
	v8 =	vmax.f32 v8, v52  }
0x6e: {  	v58 =	vld [tilespmem:s13+$0x80];
	v8 =	vmax.f32 v8, v53  }
0x6f: {  	v59 =	vld [tilespmem:s13+$0x90];
	v8 =	vmax.f32 v8, v54  }
0x70: {  	v60 =	vld [tilespmem:s13+$0xA0];
	s14 =	sadd.s32 $0x190, s14;
	v8 =	vmax.f32 v8, v55  }
0x71: {  	v61 =	vld [tilespmem:s13+$0xB0];
	s31 =	sand.u32 $0x1FFF0, s14;
	v8 =	vmax.f32 v8, v56  }
0x72: {  	v62 =	vld [tilespmem:s31+$0x180];
	v8 =	vmax.f32 v8, v57  }
0x73: {  	v8 =	vmax.f32 v8, v58  }
0x74: {  	v8 =	vmax.f32 v8, v59  }
0x75: {  	v8 =	vmax.f32 v8, v60  }
0x76: {  	v8 =	vmax.f32 v8, v61  }
0x77: {  	v8 =	vmax.f32 v8, v62  }
0x78: {  	(xrf0) =	vmax.scan.msk.f32 $0xffff, v8;
	_ =	sdelay $0x3  }
0x79: {  	v8 =	vmov s12;
	_ =	sdelay $0x1  }
0x7a: {  	v63, _, _ =	vpop (xrf0)  }
0x7b: {  	v9 =	vbroadcast v63, $0xF;
	_ =	sdelay $0x1  }
0x7c: {  	s13 =	simm.s32 $0x0;
	s12 =	simm.s32 $0x0;
	[tilespmem:v8+s9+$0x0] =	vst.idx.msk $0x1, v9  }
.LBB2_4:
0x7d: {  	v8 =	vld [tilespmem:$0x19000]  }
0x7e: {  	v9 =	vld [tilespmem:$0x19010]  }
0x7f: {  	v10 =	vld [tilespmem:$0x19020]  }
0x80: {  	v11 =	vld [tilespmem:$0x19030]  }
0x81: {  	v12 =	vld [tilespmem:$0x19040]  }
0x82: {  	v13 =	vld [tilespmem:$0x19050]  }
0x83: {  	v8 =	vmax.f32 v8, v9;
	v9 =	vld [tilespmem:$0x19060]  }
0x84: {  	v8 =	vmax.f32 v8, v10;
	v10 =	vld [tilespmem:$0x19070]  }
0x85: {  	v8 =	vmax.f32 v8, v11;
	v11 =	vld [tilespmem:$0x19080]  }
0x86: {  	v8 =	vmax.f32 v8, v12;
	v12 =	vld [tilespmem:$0x19090]  }
0x87: {  	v8 =	vmax.f32 v8, v13;
	v13 =	vld [tilespmem:$0x190A0]  }
0x88: {  	v8 =	vmax.f32 v8, v9;
	v9 =	vld [tilespmem:$0x190B0]  }
0x89: {  	v14 =	vld [tilespmem:$0x190C0];
	v8 =	vmax.f32 v8, v10  }
0x8a: {  	v15 =	vld [tilespmem:$0x190D0];
	v8 =	vmax.f32 v8, v11  }
0x8b: {  	v11 =	vld [tilespmem:$0x190E0];
	v8 =	vmax.f32 v8, v12  }
0x8c: {  	v10 =	vld [tilespmem:$0x190F0];
	v8 =	vmax.f32 v8, v13  }
0x8d: {  	v8 =	vmax.f32 v8, v9  }
0x8e: {  	v8 =	vmax.f32 v8, v14  }
0x8f: {  	v8 =	vmax.f32 v8, v15  }
0x90: {  	v8 =	vmax.f32 v8, v11  }
0x91: {  	v8 =	vmax.f32 v8, v10  }
0x92: {  	(xrf0) =	vmax.scan.msk.f32 $0xffff, v8;
	_ =	sdelay $0x2  }
0x93: {  	s14 =	simm.s32 $0x19030  }
0x94: {  	v9 =	vld [tilespmem:s14+$0xFFFFFFD0];
	_ =	sdelay $0x1  }
0x95: {  	v12 =	vld [tilespmem:s14+$0xFFFFFFE0];
	v8, _, _ =	vpop (xrf0)  }
0x96: {  	v8 =	vbroadcast v8, $0xF  }
0x97: {  	v13 =	vld [tilespmem:s14+$0xFFFFFFF0]  }
0x98: {  	v14 =	vor.u32 s12, v0;
	vm1 =	veq.f32 v9, v8  }
0x99: {  	s15 =	simm.s32 $0x10;
	v15 =	vld [tilespmem:s14+$0x0];
	v9 =	vimm.s32 $0x40000000;
	v14 =	vnsel vm1, $0x40000000, v14  }
0x9a: {  	vm2 =	veq.f32 v12, v8;
	v12 =	vor.u32 s15, v0;
	vm1 =	vlt.s32 v9, v14  }
0x9b: {  	s29 =	simm.s32 $0x20;
	p0 =	por $0x1, $0x1;
	v16 =	vld [tilespmem:s14+$0x10];
	v12 =	vnsel vm2, $0x40000000, v12;
	v14 =	vsel vm1, v9, v14  }
.Ltmp1:
0x9c: {  	vm2 =	veq.f32 v13, v8;
	v13 =	vor.u32 s29, v0;
	vm1 =	vlt.s32 v14, v12;
	(pc) =	sbr.rel @!p0 .LBB2_6-.Ltmp1, $4  }
0x9d: {  	s30 =	simm.s32 $0x30;
	v12 =	vsel vm1, v14, v12;
	v14 =	vnsel vm2, $0x40000000, v13  }
0x9e: {  	vm2 =	veq.f32 v15, v8;
	v15 =	vor.u32 s30, v0;
	v13 =	vld [tilespmem:s14+$0x20];
	vm1 =	vlt.s32 v12, v14  }
0x9f: {  	s31 =	simm.s32 $0x40;
	v15 =	vnsel vm2, $0x40000000, v15;
	v14 =	vsel vm1, v12, v14  }
0xa0: {  	s16 =	simm.s32 $0x0;
	s15 =	simm.s32 $0x190A0;
	vm2 =	veq.f32 v16, v8;
	v16 =	vor.u32 s31, v0;
	v12 =	vld [tilespmem:s14+$0x30];
	s14 =	simm.s32 $0x0;
	vm1 =	vlt.s32 v14, v15  }
.LBB2_5:
0xa1: {  	s18 =	smov.u32 s16  }
0xa2: {  	v17 =	vld [tilespmem:s15+$0xFFFFFFD0];
	v14 =	vsel vm1, v14, v15;
	v15 =	vnsel vm2, $0x40000000, v16;
	s17 =	sadd.s32 $0x50, s14;
	s18 =	sadd.s32 $0x7, s16  }
0xa3: {  	vm1 =	vlt.s32 v14, v15;
	vm2 =	veq.f32 v13, v8;
	v13 =	vor.u32 s17, v0;
	p0 =	slt.u32 s18, s16  }
0xa4: {  	v14 =	vsel vm1, v14, v15;
	v13 =	vnsel vm2, $0x40000000, v13;
	s16 =	sadd.s32 $0x60, s14;
	v16 =	vld [tilespmem:s15+$0xFFFFFFE0]  }
0xa5: {  	vm1 =	vlt.s32 v14, v13;
	vm2 =	veq.f32 v12, v8;
	v12 =	vor.u32 s16, v0  }
0xa6: {  	s14 =	sadd.s32 $0x70, s14;
	v13 =	vsel vm1, v14, v13;
	v12 =	vnsel vm2, $0x40000000, v12;
	v15 =	vld [tilespmem:s15+$0xFFFFFFF0]  }
0xa7: {  	v14 =	vor.u32 s14, v0;
	vm1 =	veq.f32 v17, v8;
	vm2 =	vlt.s32 v13, v12  }
0xa8: {  	s16 =	sadd.s32 $0x10, s14;
	v14 =	vnsel vm1, $0x40000000, v14;
	v12 =	vsel vm2, v13, v12;
	v17 =	vld [tilespmem:s15+$0x0]  }
0xa9: {  	v13 =	vor.u32 s16, v0;
	vm1 =	vlt.s32 v12, v14;
	vm2 =	veq.f32 v16, v8  }
0xaa: {  	s16 =	sadd.s32 $0x20, s14;
	v12 =	vsel vm1, v12, v14;
	v13 =	vnsel vm2, $0x40000000, v13;
	v16 =	vld [tilespmem:s15+$0x10]  }
.Ltmp2:
0xab: {  	v14 =	vor.u32 s16, v0;
	vm1 =	vlt.s32 v12, v13;
	vm2 =	veq.f32 v15, v8;
	(pc) =	sbr.rel @p0 .LBB2_5-.Ltmp2, $4  }
0xac: {  	s16 =	sadd.s32 $0x30, s14;
	v12 =	vsel vm1, v12, v13;
	v14 =	vnsel vm2, $0x40000000, v14;
	v13 =	vld [tilespmem:s15+$0x20]  }
0xad: {  	v15 =	vor.u32 s16, v0;
	vm1 =	vlt.s32 v12, v14;
	vm2 =	veq.f32 v17, v8  }
0xae: {  	s16 =	sadd.s32 $0x40, s14;
	v14 =	vsel vm1, v12, v14;
	v15 =	vnsel vm2, $0x40000000, v15;
	v12 =	vld [tilespmem:s15+$0x30]  }
0xaf: {  	s15 =	sadd.s32 $0x70, s15;
	vm1 =	vlt.s32 v14, v15;
	vm2 =	veq.f32 v16, v8;
	v16 =	vor.u32 s16, v0;
	s16 =	smov.u32 s18  }
.LBB2_6:
0xb0: {  	_ = 	snop  }
0xb1: {  	v14 =	vsel vm1, v14, v15;
	v15 =	vnsel vm2, $0x40000000, v16;
	s15 =	sadd.s32 $0x50, s14  }
0xb2: {  	vm1 =	vlt.s32 v14, v15;
	vm2 =	veq.f32 v13, v8;
	v13 =	vor.u32 s15, v0  }
0xb3: {  	s25 =	sadd.s32 $0x60, s14;
	v14 =	vsel vm1, v14, v15;
	v13 =	vnsel vm2, $0x40000000, v13  }
0xb4: {  	vm1 =	vlt.s32 v14, v13;
	vm2 =	veq.f32 v12, v8;
	v12 =	vor.u32 s25, v0  }
0xb5: {  	v13 =	vsel vm1, v14, v13;
	v12 =	vnsel vm2, $0x40000000, v12  }
0xb6: {  	vm2 =	veq.f32 v11, v8;
	vm1 =	vlt.s32 v13, v12  }
0xb7: {  	v11 =	vsel vm1, v13, v12;
	v12 =	vnsel vm2, $0x40000000, v1  }
0xb8: {  	vm2 =	veq.f32 v10, v8;
	vm1 =	vlt.s32 v11, v12  }
0xb9: {  	v10 =	vsel vm1, v11, v12;
	v11 =	vnsel vm2, $0x40000000, v2  }
0xba: {  	vm1 =	vlt.s32 v10, v11  }
0xbb: {  	v10 =	vsel vm1, v10, v11  }
0xbc: {  	v10 =	vxor.u32 $0x80000000, v10  }
0xbd: {  	(xrf0) =	vmin.scan.msk.u32 $0xffff, v10;
	_ =	sdelay $0x5  }
0xbe: {  	v10, _, _ =	vpop (xrf0)  }
0xbf: {  	(v2sf) =	vpush v10, $0xF;
	_ =	sdelay $0xe  }
0xc0: {  	s26 =	spop (v2sf)  }
0xc1: {  	s28 =	smul.u32 $0x640, s26;
	_ =	sdelay $0x1  }
0xc2: {  	s15 =	sshra.s32 s28, $0x2  }
0xc3: {  	s18 =	sadd.s32 $0x30, s15  }
0xc4: {  	s14 =	sxor.u32 $0x80000000, s26;
	v10 =	vld [tilespmem:s18+$0xFFFFFFD0]  }
0xc5: {  	s15 =	smul.u32 $0x190, s14  }
0xc6: {  	v11 =	vld [tilespmem:s18+$0xFFFFFFE0]  }
0xc7: {  	s16 =	sadd.s32 $0x60, s15  }
0xc8: {  	v12 =	vld [tilespmem:s18+$0xFFFFFFF0];
	s17 =	sadd.s32 $0xFFFFFFA0, s16  }
0xc9: {  	vm1 =	veq.f32 v10, v8;
	v10 =	vor.u32 s17, v0  }
0xca: {  	v13 =	vld [tilespmem:s18+$0x0];
	s29 =	sadd.s32 $0xFFFFFFB0, s16;
	v10 =	vnsel vm1, $0x40000000, v10  }
0xcb: {  	vm2 =	veq.f32 v11, v8;
	v11 =	vor.u32 s29, v0;
	vm1 =	vlt.s32 v9, v10  }
0xcc: {  	v14 =	vld [tilespmem:s18+$0x10];
	s30 =	sadd.s32 $0xFFFFFFC0, s16;
	v9 =	vsel vm1, v9, v10;
	v10 =	vnsel vm2, $0x40000000, v11  }
0xcd: {  	vm2 =	veq.f32 v12, v8;
	v11 =	vor.u32 s30, v0;
	vm1 =	vlt.s32 v9, v10  }
0xce: {  	s31 =	sadd.s32 $0xFFFFFFD0, s16;
	v11 =	vnsel vm2, $0x40000000, v11;
	v10 =	vsel vm1, v9, v10;
	v9 =	vld [tilespmem:s18+$0x20]  }
0xcf: {  	v12 =	vor.u32 s31, v0;
	vm2 =	veq.f32 v13, v8;
	vm1 =	vlt.s32 v10, v11  }
0xd0: {  	s19 =	sadd.s32 $0xFFFFFFE0, s16;
	v12 =	vnsel vm2, $0x40000000, v12;
	v11 =	vsel vm1, v10, v11;
	v10 =	vld [tilespmem:s18+$0x30]  }
0xd1: {  	s17 =	simm.s32 $0x0;
	v13 =	vor.u32 s19, v0;
	vm2 =	veq.f32 v14, v8;
	s18 =	sadd.s32 $0x70, s18;
	vm1 =	vlt.s32 v11, v12  }
.LBB2_7:
0xd2: {  	v14 =	vld [tilespmem:s18+$0xFFFFFFD0];
	s17 =	sadd.s32 $0x7, s17;
	v11 =	vsel vm1, v11, v12;
	v12 =	vnsel vm2, $0x40000000, v13;
	s19 =	sadd.s32 $0xFFFFFFF0, s16  }
0xd3: {  	p0 =	slt.u32 s17, $0xE;
	vm1 =	vlt.s32 v11, v12;
	vm2 =	veq.f32 v9, v8;
	v9 =	vor.u32 s19, v0  }
0xd4: {  	v13 =	vld [tilespmem:s18+$0xFFFFFFE0];
	v11 =	vsel vm1, v11, v12;
	v9 =	vnsel vm2, $0x40000000, v9  }
0xd5: {  	vm1 =	vlt.s32 v11, v9;
	vm2 =	veq.f32 v10, v8;
	v10 =	vor.u32 s16, v0;
	s16 =	sadd.s32 $0x70, s16  }
0xd6: {  	s19 =	sadd.s32 $0xFFFFFFA0, s16;
	v12 =	vld [tilespmem:s18+$0xFFFFFFF0];
	v9 =	vsel vm1, v11, v9;
	v10 =	vnsel vm2, $0x40000000, v10  }
0xd7: {  	vm1 =	veq.f32 v14, v8;
	v11 =	vor.u32 s19, v0;
	vm2 =	vlt.s32 v9, v10  }
0xd8: {  	s19 =	sadd.s32 $0xFFFFFFB0, s16;
	v11 =	vnsel vm1, $0x40000000, v11;
	v14 =	vld [tilespmem:s18+$0x0];
	v9 =	vsel vm2, v9, v10  }
0xd9: {  	v10 =	vor.u32 s19, v0;
	vm1 =	vlt.s32 v9, v11;
	vm2 =	veq.f32 v13, v8  }
0xda: {  	s19 =	sadd.s32 $0xFFFFFFC0, s16;
	v9 =	vsel vm1, v9, v11;
	v10 =	vnsel vm2, $0x40000000, v10;
	v13 =	vld [tilespmem:s18+$0x10]  }
.Ltmp3:
0xdb: {  	v11 =	vor.u32 s19, v0;
	vm1 =	vlt.s32 v9, v10;
	vm2 =	veq.f32 v12, v8;
	(pc) =	sbr.rel @p0 .LBB2_7-.Ltmp3, $4  }
0xdc: {  	s19 =	sadd.s32 $0xFFFFFFD0, s16;
	v10 =	vsel vm1, v9, v10;
	v11 =	vnsel vm2, $0x40000000, v11;
	v9 =	vld [tilespmem:s18+$0x20]  }
0xdd: {  	v12 =	vor.u32 s19, v0;
	vm1 =	vlt.s32 v10, v11;
	vm2 =	veq.f32 v14, v8  }
0xde: {  	s19 =	sadd.s32 $0xFFFFFFE0, s16;
	v11 =	vsel vm1, v10, v11;
	v12 =	vnsel vm2, $0x40000000, v12;
	v10 =	vld [tilespmem:s18+$0x30]  }
0xdf: {  	s18 =	sadd.s32 $0x70, s18;
	vm1 =	vlt.s32 v11, v12;
	vm2 =	veq.f32 v13, v8;
	v13 =	vor.u32 s19, v0  }
0xe0: {  	v11 =	vsel vm1, v11, v12;
	v27 =	vnsel vm2, $0x40000000, v13;
	s17 =	sadd.s32 $0xFFFFFFF0, s16;
	v28 =	vld [tilespmem:s15+$0x150]  }
0xe1: {  	vm1 =	vlt.s32 v11, v27;
	vm2 =	veq.f32 v9, v8;
	v29 =	vor.u32 s17, v0  }
0xe2: {  	v30 =	vld [tilespmem:s15+$0x160];
	v11 =	vsel vm1, v11, v27;
	v9 =	vnsel vm2, $0x40000000, v29  }
0xe3: {  	v31 =	vor.u32 s16, v0;
	s25 =	sadd.s32 $0x180, s15;
	vm1 =	vlt.s32 v11, v9;
	vm2 =	veq.f32 v10, v8  }
0xe4: {  	s26 =	sadd.s32 $0x150, s15;
	v32 =	vld [tilespmem:s15+$0x170];
	s19 =	sand.u32 $0x70, s15;
	s18 =	sand.u32 $0xFFFFFF80, s25;
	v9 =	vsel vm1, v11, v9;
	v10 =	vnsel vm2, $0x40000000, v31  }
0xe5: {  	v14 =	vor.u32 s26, v0;
	s28 =	sor.u32 s19, s18;
	vm1 =	veq.f32 v28, v8;
	vm2 =	vlt.s32 v9, v10  }
0xe6: {  	s29 =	sadd.s32 $0x160, s15;
	v34 =	vld [tilespmem:s28+$0x0];
	v9 =	vsel vm2, v9, v10;
	v33 =	vnsel vm1, $0x40000000, v14  }
0xe7: {  	v35 =	vor.u32 s29, v0;
	vm2 =	veq.f32 v30, v8;
	vm1 =	vlt.s32 v9, v33  }
0xe8: {  	s30 =	sadd.s32 $0x170, s15;
	v36 =	vnsel vm2, $0x40000000, v35;
	v9 =	vsel vm1, v9, v33  }
0xe9: {  	v37 =	vor.u32 s30, v0;
	vm2 =	veq.f32 v32, v8;
	vm1 =	vlt.s32 v9, v36  }
0xea: {  	v38 =	vnsel vm2, $0x40000000, v37;
	v9 =	vsel vm1, v9, v36  }
0xeb: {  	vm2 =	veq.f32 v34, v8;
	v8 =	vor.u32 s25, v0;
	vm1 =	vlt.s32 v9, v38  }
0xec: {  	v8 =	vnsel vm2, $0x40000000, v8;
	v9 =	vsel vm1, v9, v38  }
0xed: {  	vm1 =	vlt.s32 v9, v8  }
0xee: {  	v8 =	vsel vm1, v9, v8  }
0xef: {  	v8 =	vxor.u32 $0x80000000, v8  }
0xf0: {  	(xrf0) =	vmin.scan.msk.u32 $0xffff, v8;
	_ =	sdelay $0x5  }
0xf1: {  	v8, _, _ =	vpop (xrf0)  }
0xf2: {  	(v2sf) =	vpush v8, $0xF;
	_ =	sdelay $0xe  }
0xf3: {  	s31 =	spop (v2sf)  }
0xf4: {  	v8 =	vmov s13;
	s17 =	sxor.u32 $0x80000000, s31  }
0xf5: {  	v39 =	vmov s17;
	_ =	sdelay $0x3  }
0xf6: {  	[tilespmem:v8+s10+$0x0] =	vst.idx.msk $0x1, v39  }
0xf7: {  	[tilespmem:v39+s2+$0x0] =	vst.idx.msk $0x1, v3  }
0xf8: {  	v8 =	vld [tilespmem:s15+$0x0]  }
0xf9: {  	v9 =	vld [tilespmem:s15+$0x10]  }
0xfa: {  	v40 =	vld [tilespmem:s15+$0x20]  }
0xfb: {  	v41 =	vld [tilespmem:s15+$0x30]  }
0xfc: {  	v42 =	vld [tilespmem:s15+$0x40]  }
0xfd: {  	v43 =	vld [tilespmem:s15+$0x50]  }
0xfe: {  	v44 =	vld [tilespmem:s15+$0x60];
	v8 =	vmax.f32 v8, v9  }
0xff: {  	v45 =	vld [tilespmem:s15+$0x70];
	v8 =	vmax.f32 v8, v40  }
0x100: {  	v46 =	vld [tilespmem:s15+$0x80];
	v8 =	vmax.f32 v8, v41  }
0x101: {  	v47 =	vld [tilespmem:s15+$0x90];
	v8 =	vmax.f32 v8, v42  }
0x102: {  	v48 =	vld [tilespmem:s15+$0xA0];
	v8 =	vmax.f32 v8, v43  }
0x103: {  	v49 =	vld [tilespmem:s15+$0xB0];
	v8 =	vmax.f32 v8, v44  }
0x104: {  	v50 =	vld [tilespmem:s15+$0xC0];
	v8 =	vmax.f32 v8, v45  }
0x105: {  	v51 =	vld [tilespmem:s15+$0xD0];
	v8 =	vmax.f32 v8, v46  }
0x106: {  	v52 =	vld [tilespmem:s15+$0xE0];
	v8 =	vmax.f32 v8, v47  }
0x107: {  	v53 =	vld [tilespmem:s15+$0xF0];
	v8 =	vmax.f32 v8, v48  }
0x108: {  	v54 =	vld [tilespmem:s15+$0x100];
	v8 =	vmax.f32 v8, v49  }
0x109: {  	v55 =	vld [tilespmem:s15+$0x110];
	v8 =	vmax.f32 v8, v50  }
0x10a: {  	v56 =	vld [tilespmem:s15+$0x120];
	v8 =	vmax.f32 v8, v51  }
0x10b: {  	v57 =	vld [tilespmem:s15+$0x130];
	v8 =	vmax.f32 v8, v52  }
0x10c: {  	v58 =	vld [tilespmem:s15+$0x140];
	v8 =	vmax.f32 v8, v53  }
0x10d: {  	v59 =	vld [tilespmem:s15+$0x150];
	v8 =	vmax.f32 v8, v54  }
0x10e: {  	v60 =	vld [tilespmem:s15+$0x160];
	v8 =	vmax.f32 v8, v55  }
0x10f: {  	v61 =	vld [tilespmem:s15+$0x170];
	v8 =	vmax.f32 v8, v56  }
0x110: {  	v62 =	vld [tilespmem:s28+$0x0];
	v8 =	vmax.f32 v8, v57  }
0x111: {  	v8 =	vmax.f32 v8, v58  }
0x112: {  	v8 =	vmax.f32 v8, v59  }
0x113: {  	v8 =	vmax.f32 v8, v60  }
0x114: {  	v8 =	vmax.f32 v8, v61  }
0x115: {  	v8 =	vmax.f32 v8, v62  }
0x116: {  	(xrf0) =	vmax.scan.msk.f32 $0xffff, v8;
	_ =	sdelay $0x2  }
0x117: {  	s13 =	sadd.s32 $0x1, s13  }
0x118: {  	p0 =	sne.s32 s13, $0x32;
	v8 =	vmov s14  }
.Ltmp4:
0x119: {  	_ = 	snop;
	(pc) =	sbr.rel @p0 .LBB2_4-.Ltmp4, $3  }
0x11a: {  	v63, _, _ =	vpop (xrf0)  }
0x11b: {  	v9 =	vbroadcast v63, $0xF;
	_ =	sdelay $0x1  }
0x11c: {  	[tilespmem:v8+s9+$0x0] =	vst.idx.msk $0x1, v9  }
0x11d: {  	s12 =	simm.s32 $0x40  }
0x11e: {  	[tilespmem:s12+$0xFFFFFFC0] =	vst v4  }
0x11f: {  	[tilespmem:s12+$0x30] =	vst v4  }
0x120: {  	[tilespmem:s12+$0x20] =	vst v4  }
0x121: {  	[tilespmem:s12+$0x10] =	vst v4  }
0x122: {  	[tilespmem:s12+$0x0] =	vst v4  }
0x123: {  	[tilespmem:s12+$0xFFFFFFF0] =	vst v4  }
0x124: {  	s13 =	simm.s32 $0x0;
	[tilespmem:s12+$0xFFFFFFE0] =	vst v4  }
.LBB2_10:
0x125: {  	s13 =	sadd.s32 $0x8, s13;
	[tilespmem:s12+$0xFFFFFFD0] =	vst v4;
	s12 =	sadd.s32 $0x80, s12  }
0x126: {  	[tilespmem:s12+$0xFFFFFFC0] =	vst v4;
	p0 =	slt.u32 s13, $0x18F8  }
0x127: {  	[tilespmem:s12+$0x30] =	vst v4  }
.Ltmp5:
0x128: {  	[tilespmem:s12+$0x20] =	vst v4;
	(pc) =	sbr.rel @p0 .LBB2_10-.Ltmp5, $4  }
0x129: {  	[tilespmem:s12+$0x10] =	vst v4  }
0x12a: {  	[tilespmem:s12+$0x0] =	vst v4  }
0x12b: {  	[tilespmem:s12+$0xFFFFFFF0] =	vst v4  }
0x12c: {  	[tilespmem:s12+$0xFFFFFFE0] =	vst v4  }
0x12d: {  	[tilespmem:s12+$0xFFFFFFD0] =	vst v4  }
0x12e: {  	v8 =	vld [tilespmem:$0x19100];
	_ =	sdelay $0x7  }
0x12f: {  	[tilespmem:v8+s2+$0x0] =	vst.idx.msk $0xffff, v5  }
0x130: {  	v8 =	vld [tilespmem:$0x19110];
	_ =	sdelay $0x7  }
0x131: {  	[tilespmem:v8+s2+$0x0] =	vst.idx.msk $0xffff, v5  }
0x132: {  	v8 =	vld [tilespmem:$0x19120];
	_ =	sdelay $0x7  }
0x133: {  	[tilespmem:v8+s2+$0x0] =	vst.idx.msk $0xffff, v5  }
0x134: {  	v8 =	vld [tilespmem:$0x19130];
	_ =	sdelay $0x4  }
0x135: {  	v8 =	vsel vm0, v8, v6;
	_ =	sdelay $0x2  }
0x136: {  	s11 =	sadd.s32 $0x1, s11  }
0x137: {  	p0 =	sne.s32 s11, s5  }
.Ltmp6:
0x138: {  	[tilespmem:v8+s2+$0x0] =	vst.idx.msk $0xffff, v7;
	(pc) =	sbr.rel @p0 .LBB2_1-.Ltmp6, $4  }
0x139: {  	[hbm4b:s4+s6] =	stream.strided.scatter [tilespmem:s2], [sflag:$0x1], $0x19000, s7, s6, $0x38;
	[tilespmem:$0x19180] =	vst v63  }
0x13a: {  	_ =	swait.ge [sflag:s8], $0x19000  }
0x13b: {  	[sflag:s8] =	ssyncset.done $0x0  }
0x13c: {  	[sflag:s8] =	ssyncadd.s32 $0xFFFE7000  }
0x13d: {  	_ =	sfence.sel $0x180000  }
0x13e: {  	[bflag:$0x0] =	sbarrier.arrive $0xFFFF  }
0x13f: {  	p0 =	sne.s32 s0, $0x0;
	_ =	strace $0x90000047  }
0x140: {  	s0 =	sadd.s32 @!p0 $0x100000, s1;
	[bflag:$0x2] =	sbarrier.arrive $0xFFFF  }
0x141: {  	[sflag:s0] =	ssyncadd.tile.s32 @!p0 $0x1;
	_ =	shalt  }
.Lfunc_end2:
_tile_overlayer_lowered:
.L_overlay_start_2:
0x142: {  	(tag) =	ssettag $0x2  }
0x143: {  	s0 =	rddreg [dreg:$0x0];
	s2 =	stileid.u32  }
0x144: {  	s1 =	rddreg [dreg:$0x1];
	p0 =	sne.s32 s2, $0x0  }
0x145: {  	s3 =	rddreg [dreg:$0x2];
	[bflag:$0x3] =	sbarrier.arrive $0xFFFF;
	s2 =	simm.s32 @!p0 $0x1C01  }
0x146: {  	[timem:s3], [sflag:s2] =	dma.local @!p0 [hbm:s0], s1  }
0x147: {  	s0 =	simm.s32 @!p0 $0x1  }
0x148: {  	_ =	swait.ge @!p0 [sflag:s0], s1  }
0x149: {  	s1 =	ssub.s32 @!p0 $0x0, s1;
	[sflag:s0] =	ssyncset.done @!p0 $0x0  }
0x14a: {  	[sflag:s0] =	ssyncadd.s32 @!p0 s1  }
0x14b: {  	[bflag:$0x3] =	sbarrier.arrive $0xFFFF  }
0x14c: {  	_ =	shalt  }

</sc_bundles>
